<compile_context>
chip_gen: v7x
topology: tpu7x:2x2x1
jax: 0.10.2.dev20260603
libtpu: 0.0.44.dev20260713+nightly
codegen_flags: <defaults>
</compile_context>

<pallas_src>
import functools

import jax
import jax.numpy as jnp
from jax import lax
from jax.experimental import pallas as pl
from jax.experimental.pallas import tpu as pltpu
from jax.experimental.pallas import tpu_sc as plsc

N_NODES = 100000
N_EDGES = 3200000
D_FEAT = 128
D_EDGE = 16
N_GRAPHS = 64
D_U = 64
OUT_DIM = 128

NC, NS, L = 2, 16, 16
NW = NC * NS
CE = 1024
NCH = N_EDGES // CE
CH_PER_W = 2 * (-(-NCH // (2 * NW)))
BPK_WORDS = N_NODES // 4

BN = 2000
NB = N_NODES // BN


def _sc_edge_body(eidx_hbm, eattr_hbm, bpk_hbm, out_hbm,
                  bpk_v, idx_v0, idx_v1, attr_v0, attr_v1, acc_v,
                  isem0, isem1, asem0, asem1):
    c = lax.axis_index("c")
    s = lax.axis_index("s")
    wid = s * NC + c
    idx_b = (idx_v0, idx_v1)
    attr_b = (attr_v0, attr_v1)
    isem = (isem0, isem1)
    asem = (asem0, asem1)

    pltpu.sync_copy(bpk_hbm, bpk_v)

    def zrow(r, carry):
        acc_v[pl.ds(r * L, L)] = jnp.zeros((L,), jnp.float32)
        return carry
    lax.fori_loop(0, N_GRAPHS, zrow, 0)

    lane = lax.iota(jnp.int32, L)

    def issue(jj, b):
        cid = wid + jj * NW

        @pl.when(cid < NCH)
        def _():
            base = cid * CE
            pltpu.make_async_copy(
                eidx_hbm.at[0, pl.ds(base, CE)], idx_b[b], isem[b]).start()
            pltpu.make_async_copy(
                eattr_hbm.at[pl.ds(base * D_EDGE, CE * D_EDGE)],
                attr_b[b], asem[b]).start()

    def consume(jj, b):
        cid = wid + jj * NW

        @pl.when(cid < NCH)
        def _():
            base = cid * CE
            pltpu.make_async_copy(
                eidx_hbm.at[0, pl.ds(base, CE)], idx_b[b], isem[b]).wait()
            pltpu.make_async_copy(
                eattr_hbm.at[pl.ds(base * D_EDGE, CE * D_EDGE)],
                attr_b[b], asem[b]).wait()

            def group(e16, carry2):
                idx16 = idx_b[b][pl.ds(e16 * L, L)]
                w = plsc.load_gather(
                    bpk_v, [lax.shift_right_logical(idx16, 2)])
                seg16 = lax.shift_right_logical(w, (idx16 & 3) * 8) & 255
                addr16 = seg16 * D_EDGE
                for k in range(L):
                    row = attr_b[b][pl.ds((e16 * L + k) * D_EDGE, D_EDGE)]
                    a = jnp.take(addr16, jnp.full((L,), k, jnp.int32))
                    plsc.addupdate_scatter(acc_v, [a + lane], row)
                return carry2
            lax.fori_loop(0, CE // L, group, 0)

    issue(0, 0)

    def outer(j2, carry):
        jj = j2 * 2
        issue(jj + 1, 1)
        consume(jj, 0)
        issue(jj + 2, 0)
        consume(jj + 1, 1)
        return carry
    lax.fori_loop(0, CH_PER_W // 2, outer, 0)

    pltpu.sync_copy(acc_v, out_hbm.at[wid])


_sc_edge = functools.partial(
    pl.kernel,
    out_type=jax.ShapeDtypeStruct((NW, N_GRAPHS * D_EDGE), jnp.float32),
    mesh=plsc.VectorSubcoreMesh(core_axis_name="c", subcore_axis_name="s"),
    compiler_params=pltpu.CompilerParams(needs_layout_passes=False),
    scratch_types=[
        pltpu.VMEM((BPK_WORDS,), jnp.int32),
        pltpu.VMEM((CE,), jnp.int32),
        pltpu.VMEM((CE,), jnp.int32),
        pltpu.VMEM((CE * D_EDGE,), jnp.float32),
        pltpu.VMEM((CE * D_EDGE,), jnp.float32),
        pltpu.VMEM((N_GRAPHS * D_EDGE,), jnp.float32),
        pltpu.SemaphoreType.DMA,
        pltpu.SemaphoreType.DMA,
        pltpu.SemaphoreType.DMA,
        pltpu.SemaphoreType.DMA,
    ],
)(_sc_edge_body)


def _tc_body(batch_ref, x_ref, u_ref, W_ref, b_ref, ep_ref,
             out_ref, acc_node):
    t = pl.program_id(0)

    @pl.when(t == 0)
    def _init():
        acc_node[...] = jnp.zeros_like(acc_node)

    @pl.when(t < NB)
    def _node():
        b_blk = batch_ref[0, 0, :].astype(jnp.int32)[None, :]
        g = lax.broadcasted_iota(jnp.int32, (N_GRAPHS, 1), 0)
        onehot_t = (b_blk == g).astype(jnp.float32)
        acc_node[...] += jnp.dot(onehot_t, x_ref[...],
                                 preferred_element_type=jnp.float32)

    @pl.when(t == NB)
    def _final():
        edge_agg = jnp.sum(ep_ref[...], axis=0)
        inp = jnp.concatenate(
            [acc_node[...], edge_agg, u_ref[...]], axis=-1)
        out = jnp.dot(inp, W_ref[...], preferred_element_type=jnp.float32)
        out_ref[...] = jnp.maximum(out + b_ref[...], 0.0)


@jax.jit
def kernel(x, edge_index, edge_attr, u, batch, W, b):
    batch_i32 = batch.astype(jnp.int32)
    eidx = edge_index.astype(jnp.int32)
    eattr_flat = edge_attr.reshape(-1)

    bpk = lax.bitcast_convert_type(
        batch_i32.astype(jnp.uint8).reshape(BPK_WORDS, 4), jnp.int32)
    edge_part = _sc_edge(eidx, eattr_flat, bpk)
    edge_part = edge_part.reshape(NW, N_GRAPHS, D_EDGE)

    batch3 = batch_i32.reshape(NB, 1, BN)
    b2 = b.reshape(1, OUT_DIM)
    out = pl.pallas_call(
        _tc_body,
        grid=(NB + 1,),
        in_specs=[
            pl.BlockSpec((1, 1, BN), lambda t: (jnp.minimum(t, NB - 1), 0, 0)),
            pl.BlockSpec((BN, D_FEAT), lambda t: (jnp.minimum(t, NB - 1), 0)),
            pl.BlockSpec((N_GRAPHS, D_U), lambda t: (0, 0)),
            pl.BlockSpec((D_FEAT + D_EDGE + D_U, OUT_DIM), lambda t: (0, 0)),
            pl.BlockSpec((1, OUT_DIM), lambda t: (0, 0)),
            pl.BlockSpec((NW, N_GRAPHS, D_EDGE), lambda t: (0, 0, 0)),
        ],
        out_specs=pl.BlockSpec((N_GRAPHS, OUT_DIM), lambda t: (0, 0)),
        out_shape=jax.ShapeDtypeStruct((N_GRAPHS, OUT_DIM), jnp.float32),
        scratch_shapes=[
            pltpu.VMEM((N_GRAPHS, D_FEAT), jnp.float32),
        ],
    )(batch3, x, u, W, b2, edge_part)
    return out

# --- scband reference (transcript-rebuilt; emitter-appended) ---
"""Pipeline reference for scband-global-model-12077448036507 (READ-ONLY COPY).

The authoritative reference and input builder live on the scoring server;
editing this copy changes nothing except your own understanding.
"""

import jax, jax.numpy as jnp
import numpy as np

N_NODES = 100000
N_EDGES = 3200000
D_FEAT = 128
D_EDGE = 16
N_GRAPHS = 64
D_U = 64
IN_DIM = D_FEAT + D_EDGE + D_U
OUT_DIM = 128


def setup_inputs(seed: int = 0) -> dict:
    key = jax.random.key(seed)
    k1, k2, k3, k4, k5, k6, k7 = jax.random.split(key, 7)
    x = jax.random.normal(k1, (N_NODES, D_FEAT), dtype=jnp.float32)
    edge_index = jax.random.randint(k2, (2, N_EDGES), 0, N_NODES, dtype=jnp.int64)
    edge_attr = jax.random.normal(k3, (N_EDGES, D_EDGE), dtype=jnp.float32)
    u = jax.random.normal(k4, (N_GRAPHS, D_U), dtype=jnp.float32)
    batch = jnp.sort(jax.random.randint(k5, (N_NODES,), 0, N_GRAPHS, dtype=jnp.int64))
    W = jax.random.normal(k6, (IN_DIM, OUT_DIM), dtype=jnp.float32) * (1.0 / np.sqrt(IN_DIM))
    b = jax.random.normal(k7, (OUT_DIM,), dtype=jnp.float32) * 0.01
    return {"x": x, "edge_index": edge_index, "edge_attr": edge_attr, "u": u, "batch": batch, "W": W, "b": b}


def reference(x, edge_index, edge_attr, u, batch, W, b):
    num_graphs = u.shape[0]
    # node_agg = scatter(x, batch, dim=0, reduce='sum')
    node_agg = jax.ops.segment_sum(x, batch, num_segments=num_graphs)
    # edge_agg = scatter(edge_attr, batch[edge_index[0]], dim=0, reduce='sum')
    edge_seg = jnp.take(batch, edge_index[0], axis=0)
    edge_agg = jax.ops.segment_sum(edge_attr, edge_seg, num_segments=num_graphs)
    inp = jnp.concatenate([node_agg, edge_agg, u], axis=-1)
    # global_mlp: Linear(in_dim, out_dim) + ReLU
    out = jax.nn.relu(inp @ W + b)
    return out

if __name__ == "__main__":
    import jax
    _d = setup_inputs()
    print(jax.jit(kernel)(*tuple(_d.values())))

</pallas_src>

<mosaic_0001>
#map = affine_map<(d0, d1) -> (0, 0)>
#map1 = affine_map<(d0, d1) -> (0)>
module attributes {stable_mosaic.version = 14 : i64} {
  func.func @_sc_edge_body(%arg0: i32, %arg1: i32, %arg2: memref<2x3200000xi32, #tpu.memory_space<hbm>>, %arg3: memref<51200000xf32, #tpu.memory_space<hbm>>, %arg4: memref<25000xi32, #tpu.memory_space<hbm>>, %arg5: memref<32x1024xf32, #tpu.memory_space<hbm>>, %arg6: memref<25000xi32, #tpu.memory_space<vmem>>, %arg7: memref<1024xi32, #tpu.memory_space<vmem>>, %arg8: memref<1024xi32, #tpu.memory_space<vmem>>, %arg9: memref<16384xf32, #tpu.memory_space<vmem>>, %arg10: memref<16384xf32, #tpu.memory_space<vmem>>, %arg11: memref<1024xf32, #tpu.memory_space<vmem>>, %arg12: memref<!tpu.dma_semaphore, #tpu.memory_space<semaphore_mem>>, %arg13: memref<!tpu.dma_semaphore, #tpu.memory_space<semaphore_mem>>, %arg14: memref<!tpu.dma_semaphore, #tpu.memory_space<semaphore_mem>>, %arg15: memref<!tpu.dma_semaphore, #tpu.memory_space<semaphore_mem>>) attributes {dimension_semantics = [#tpu.dimension_semantics<core_parallel>, #tpu.dimension_semantics<subcore_parallel>], iteration_bounds = array<i64: 2, 16>, scalar_prefetch = 0 : i64, scratch_operands = 10 : i64, tpu.core_type = #tpu.core_type<sc_vector_subcore>, window_params = [{transform_indices = #map}, {transform_indices = #map1}, {transform_indices = #map1}, {transform_indices = #map}]} {
    %mul3A = arith.constant 2 : i32
    %mul3A_0 = arith.muli %arg1, %mul3A : i32
    %add3A = arith.addi %mul3A_0, %arg0 : i32
    "tpu.region"() ({
      %run_scoped3A = tpu.sem_alloc : memref<!tpu.dma_semaphore, #tpu.memory_space<semaphore_mem>>
      tpu.enqueue_dma source(%arg4 : memref<25000xi32, #tpu.memory_space<hbm>>) target(%arg6 : memref<25000xi32, #tpu.memory_space<vmem>>) target_semaphore(%run_scoped3A : memref<!tpu.dma_semaphore, #tpu.memory_space<semaphore_mem>>)
      tpu.wait_dma2 semaphore(%run_scoped3A : memref<!tpu.dma_semaphore, #tpu.memory_space<semaphore_mem>>) src(%arg4 : memref<25000xi32, #tpu.memory_space<hbm>>) dst(%arg6 : memref<25000xi32, #tpu.memory_space<vmem>>)
      tpu.yield
    }) : () -> ()
    %scan3A = arith.constant 0 : i32
    %scan3A_1 = arith.constant 0 : i32
    %scan3A_2 = arith.constant 64 : i32
    %scan3A_3 = arith.addi %scan3A_1, %scan3A_2 : i32
    %scan3A_4 = arith.constant 1 : i32
    scf.for %scan3A_16 = %scan3A_1 to %scan3A_3 step %scan3A_4  : i32 {
      %broadcast_in_dim3A = arith.constant 0.000000e+00 : f32
      %broadcast_in_dim3A_17 = vector.broadcast %broadcast_in_dim3A : f32 to vector<16xf32>
      %mul3A_18 = arith.constant 16 : i32
      %mul3A_19 = arith.muli %scan3A_16, %mul3A_18 : i32
      %swap3A = arith.index_cast %mul3A_19 : i32 to index
      %swap3A_20 = tpu.vector_load %arg11[%swap3A] {strides = array<i32>} : memref<1024xf32, #tpu.memory_space<vmem>>, vector<16xf32>,
      tpu.vector_store %arg11[%swap3A], %broadcast_in_dim3A_17 {strides = array<i32>} : memref<1024xf32, #tpu.memory_space<vmem>>, vector<16xf32>,
    }
    %scan3A_5 = arith.constant 64 : i32
    %iota3A = tpu.iota {dimensions = array<i32: 0>} : vector<16xi32>
    %add3A_6 = arith.constant 0 : i32
    %add3A_7 = arith.addi %add3A, %add3A_6 : i32
    %lt3A = arith.constant 3125 : i32
    %lt3A_8 = arith.cmpi slt, %add3A_7, %lt3A : i32
    %convert_element_type3A = arith.extui %lt3A_8 : i1 to i32
    %cond3A = arith.constant 0 : i32
    %cond3A_9 = arith.cmpi ne, %convert_element_type3A, %cond3A : i32
    scf.if %cond3A_9 {
      %mul3A_16 = arith.constant 1024 : i32
      %mul3A_17 = arith.muli %add3A_7, %mul3A_16 : i32
      %dma_start3A = arith.constant 0 : i32
      %dma_start3A_18 = tpu.memref_slice %arg2[%dma_start3A, %mul3A_17] : memref<2x3200000xi32, #tpu.memory_space<hbm>> -> memref<1x1024xi32, #tpu.memory_space<hbm>>
      %dma_start3A_19 = tpu.memref_squeeze %dma_start3A_18 : memref<1x1024xi32, #tpu.memory_space<hbm>> -> memref<1024xi32, #tpu.memory_space<hbm>>
      %dma_start3A_20 = tpu.memref_slice %arg2[%dma_start3A, %mul3A_17] : memref<2x3200000xi32, #tpu.memory_space<hbm>> -> memref<1x1024xi32, #tpu.memory_space<hbm>>
      %dma_start3A_21 = tpu.memref_squeeze %dma_start3A_20 : memref<1x1024xi32, #tpu.memory_space<hbm>> -> memref<1024xi32, #tpu.memory_space<hbm>>
      tpu.enqueue_dma source(%dma_start3A_21 : memref<1024xi32, #tpu.memory_space<hbm>>) target(%arg7 : memref<1024xi32, #tpu.memory_space<vmem>>) target_semaphore(%arg12 : memref<!tpu.dma_semaphore, #tpu.memory_space<semaphore_mem>>)
      %mul3A_22 = arith.constant 16 : i32
      %mul3A_23 = arith.muli %mul3A_17, %mul3A_22 : i32
      %dma_start3A_24 = tpu.memref_slice %arg3[%mul3A_23] : memref<51200000xf32, #tpu.memory_space<hbm>> -> memref<16384xf32, #tpu.memory_space<hbm>>
      %dma_start3A_25 = tpu.memref_slice %arg3[%mul3A_23] : memref<51200000xf32, #tpu.memory_space<hbm>> -> memref<16384xf32, #tpu.memory_space<hbm>>
      tpu.enqueue_dma source(%dma_start3A_25 : memref<16384xf32, #tpu.memory_space<hbm>>) target(%arg9 : memref<16384xf32, #tpu.memory_space<vmem>>) target_semaphore(%arg14 : memref<!tpu.dma_semaphore, #tpu.memory_space<semaphore_mem>>)
    } else {
    }
    %scan3A_10 = arith.constant 0 : i32
    %scan3A_11 = arith.constant 0 : i32
    %scan3A_12 = arith.constant 49 : i32
    %scan3A_13 = arith.addi %scan3A_11, %scan3A_12 : i32
    %scan3A_14 = arith.constant 1 : i32
    scf.for %scan3A_16 = %scan3A_11 to %scan3A_13 step %scan3A_14  : i32 {
      %mul3A_17 = arith.constant 2 : i32
      %mul3A_18 = arith.muli %scan3A_16, %mul3A_17 : i32
      %add3A_19 = arith.constant 1 : i32
      %add3A_20 = arith.addi %mul3A_18, %add3A_19 : i32
      %mul3A_21 = arith.constant 32 : i32
      %mul3A_22 = arith.muli %add3A_20, %mul3A_21 : i32
      %add3A_23 = arith.addi %add3A, %mul3A_22 : i32
      %lt3A_24 = arith.constant 3125 : i32
      %lt3A_25 = arith.cmpi slt, %add3A_23, %lt3A_24 : i32
      %convert_element_type3A_26 = arith.extui %lt3A_25 : i1 to i32
      %cond3A_27 = arith.constant 0 : i32
      %cond3A_28 = arith.cmpi ne, %convert_element_type3A_26, %cond3A_27 : i32
      scf.if %cond3A_28 {
        %mul3A_57 = arith.constant 1024 : i32
        %mul3A_58 = arith.muli %add3A_23, %mul3A_57 : i32
        %dma_start3A = arith.constant 0 : i32
        %dma_start3A_59 = tpu.memref_slice %arg2[%dma_start3A, %mul3A_58] : memref<2x3200000xi32, #tpu.memory_space<hbm>> -> memref<1x1024xi32, #tpu.memory_space<hbm>>
        %dma_start3A_60 = tpu.memref_squeeze %dma_start3A_59 : memref<1x1024xi32, #tpu.memory_space<hbm>> -> memref<1024xi32, #tpu.memory_space<hbm>>
        %dma_start3A_61 = tpu.memref_slice %arg2[%dma_start3A, %mul3A_58] : memref<2x3200000xi32, #tpu.memory_space<hbm>> -> memref<1x1024xi32, #tpu.memory_space<hbm>>
        %dma_start3A_62 = tpu.memref_squeeze %dma_start3A_61 : memref<1x1024xi32, #tpu.memory_space<hbm>> -> memref<1024xi32, #tpu.memory_space<hbm>>
        tpu.enqueue_dma source(%dma_start3A_62 : memref<1024xi32, #tpu.memory_space<hbm>>) target(%arg8 : memref<1024xi32, #tpu.memory_space<vmem>>) target_semaphore(%arg13 : memref<!tpu.dma_semaphore, #tpu.memory_space<semaphore_mem>>)
        %mul3A_63 = arith.constant 16 : i32
        %mul3A_64 = arith.muli %mul3A_58, %mul3A_63 : i32
        %dma_start3A_65 = tpu.memref_slice %arg3[%mul3A_64] : memref<51200000xf32, #tpu.memory_space<hbm>> -> memref<16384xf32, #tpu.memory_space<hbm>>
        %dma_start3A_66 = tpu.memref_slice %arg3[%mul3A_64] : memref<51200000xf32, #tpu.memory_space<hbm>> -> memref<16384xf32, #tpu.memory_space<hbm>>
        tpu.enqueue_dma source(%dma_start3A_66 : memref<16384xf32, #tpu.memory_space<hbm>>) target(%arg10 : memref<16384xf32, #tpu.memory_space<vmem>>) target_semaphore(%arg15 : memref<!tpu.dma_semaphore, #tpu.memory_space<semaphore_mem>>)
      } else {
      }
      %mul3A_29 = arith.constant 32 : i32
      %mul3A_30 = arith.muli %mul3A_18, %mul3A_29 : i32
      %add3A_31 = arith.addi %add3A, %mul3A_30 : i32
      %lt3A_32 = arith.constant 3125 : i32
      %lt3A_33 = arith.cmpi slt, %add3A_31, %lt3A_32 : i32
      %convert_element_type3A_34 = arith.extui %lt3A_33 : i1 to i32
      %cond3A_35 = arith.constant 0 : i32
      %cond3A_36 = arith.cmpi ne, %convert_element_type3A_34, %cond3A_35 : i32
      scf.if %cond3A_36 {
        %mul3A_57 = arith.constant 1024 : i32
        %mul3A_58 = arith.muli %add3A_31, %mul3A_57 : i32
        %dma_wait3A = arith.constant 0 : i32
        %dma_wait3A_59 = tpu.memref_slice %arg2[%dma_wait3A, %mul3A_58] : memref<2x3200000xi32, #tpu.memory_space<hbm>> -> memref<1x1024xi32, #tpu.memory_space<hbm>>
        %dma_wait3A_60 = tpu.memref_squeeze %dma_wait3A_59 : memref<1x1024xi32, #tpu.memory_space<hbm>> -> memref<1024xi32, #tpu.memory_space<hbm>>
        %dma_wait3A_61 = tpu.memref_slice %arg2[%dma_wait3A, %mul3A_58] : memref<2x3200000xi32, #tpu.memory_space<hbm>> -> memref<1x1024xi32, #tpu.memory_space<hbm>>
        %dma_wait3A_62 = tpu.memref_squeeze %dma_wait3A_61 : memref<1x1024xi32, #tpu.memory_space<hbm>> -> memref<1024xi32, #tpu.memory_space<hbm>>
        tpu.wait_dma2 semaphore(%arg12 : memref<!tpu.dma_semaphore, #tpu.memory_space<semaphore_mem>>) src(%dma_wait3A_62 : memref<1024xi32, #tpu.memory_space<hbm>>) dst(%arg7 : memref<1024xi32, #tpu.memory_space<vmem>>)
        %mul3A_63 = arith.constant 16 : i32
        %mul3A_64 = arith.muli %mul3A_58, %mul3A_63 : i32
        %dma_wait3A_65 = tpu.memref_slice %arg3[%mul3A_64] : memref<51200000xf32, #tpu.memory_space<hbm>> -> memref<16384xf32, #tpu.memory_space<hbm>>
        %dma_wait3A_66 = tpu.memref_slice %arg3[%mul3A_64] : memref<51200000xf32, #tpu.memory_space<hbm>> -> memref<16384xf32, #tpu.memory_space<hbm>>
        tpu.wait_dma2 semaphore(%arg14 : memref<!tpu.dma_semaphore, #tpu.memory_space<semaphore_mem>>) src(%dma_wait3A_66 : memref<16384xf32, #tpu.memory_space<hbm>>) dst(%arg9 : memref<16384xf32, #tpu.memory_space<vmem>>)
        %scan3A_67 = arith.constant 0 : i32
        %scan3A_68 = arith.constant 0 : i32
        %scan3A_69 = arith.constant 64 : i32
        %scan3A_70 = arith.addi %scan3A_68, %scan3A_69 : i32
        %scan3A_71 = arith.constant 1 : i32
        scf.for %scan3A_73 = %scan3A_68 to %scan3A_70 step %scan3A_71  : i32 {
          %mul3A_74 = arith.constant 16 : i32
          %mul3A_75 = arith.muli %scan3A_73, %mul3A_74 : i32
          %get3A = arith.index_cast %mul3A_75 : i32 to index
          %get3A_76 = tpu.vector_load %arg7[%get3A] {strides = array<i32>} : memref<1024xi32, #tpu.memory_space<vmem>>, vector<16xi32>,
          %shift_right_logical3A = arith.constant 2 : i32
          %shift_right_logical3A_77 = vector.broadcast %shift_right_logical3A : i32 to vector<16xi32>
          %shift_right_logical3A_78 = arith.shrui %get3A_76, %shift_right_logical3A_77 : vector<16xi32>
          %gather3A = tpu.vector_load_idx %arg6[%shift_right_logical3A_78] : memref<25000xi32, #tpu.memory_space<vmem>>[vector<16xi32>], vector<16xi32>,
          %and3A = arith.constant 3 : i32
          %and3A_79 = vector.broadcast %and3A : i32 to vector<16xi32>
          %and3A_80 = arith.andi %get3A_76, %and3A_79 : vector<16xi32>
          %mul3A_81 = arith.constant 8 : i32
          %mul3A_82 = vector.broadcast %mul3A_81 : i32 to vector<16xi32>
          %mul3A_83 = arith.muli %and3A_80, %mul3A_82 : vector<16xi32>
          %shift_right_logical3A_84 = arith.shrui %gather3A, %mul3A_83 : vector<16xi32>
          %and3A_85 = arith.constant 255 : i32
          %and3A_86 = vector.broadcast %and3A_85 : i32 to vector<16xi32>
          %and3A_87 = arith.andi %shift_right_logical3A_84, %and3A_86 : vector<16xi32>
          %mul3A_88 = arith.constant 16 : i32
          %mul3A_89 = vector.broadcast %mul3A_88 : i32 to vector<16xi32>
          %mul3A_90 = arith.muli %and3A_87, %mul3A_89 : vector<16xi32>
          %mul3A_91 = arith.constant 16 : i32
          %mul3A_92 = arith.muli %scan3A_73, %mul3A_91 : i32
          %add3A_93 = arith.constant 0 : i32
          %add3A_94 = arith.addi %mul3A_92, %add3A_93 : i32
          %mul3A_95 = arith.constant 16 : i32
          %mul3A_96 = arith.muli %add3A_94, %mul3A_95 : i32
          %get3A_97 = arith.index_cast %mul3A_96 : i32 to index
          %get3A_98 = tpu.vector_load %arg9[%get3A_97] {strides = array<i32>} : memref<16384xf32, #tpu.memory_space<vmem>>, vector<16xf32>,
          %broadcast_in_dim3A = arith.constant 0 : i32
          %broadcast_in_dim3A_99 = vector.broadcast %broadcast_in_dim3A : i32 to vector<16xi32>
          %lt3A_100 = arith.constant 0 : i32
          %lt3A_101 = vector.broadcast %lt3A_100 : i32 to vector<16xi32>
          %lt3A_102 = arith.cmpi slt, %broadcast_in_dim3A_99, %lt3A_101 : vector<16xi32>
          %add3A_103 = arith.constant 16 : i32
          %add3A_104 = vector.broadcast %add3A_103 : i32 to vector<16xi32>
          %add3A_105 = arith.addi %broadcast_in_dim3A_99, %add3A_104 : vector<16xi32>
          %select_n3A = arith.select %lt3A_102, %add3A_105, %broadcast_in_dim3A_99 : vector<16xi1>, vector<16xi32>
          %broadcast_in_dim3A_106 = vector.shape_cast %select_n3A : vector<16xi32> to vector<16x1xi32>
          %gather3A_107 = vector.shape_cast %broadcast_in_dim3A_106 : vector<16x1xi32> to vector<16xi32>
          %gather3A_108 = tpu.dynamic_gather %mul3A_90[%gather3A_107] in [0] : vector<16xi32>, vector<16xi32> -> vector<16xi32>
          %add3A_109 = arith.addi %gather3A_108, %iota3A : vector<16xi32>
          tpu.vector_store_idx %arg11[%add3A_109], %get3A_98 {add = true} : memref<1024xf32, #tpu.memory_space<vmem>>[vector<16xi32>], vector<16xf32>,
          %mul3A_110 = arith.constant 16 : i32
          %mul3A_111 = arith.muli %scan3A_73, %mul3A_110 : i32
          %add3A_112 = arith.constant 1 : i32
          %add3A_113 = arith.addi %mul3A_111, %add3A_112 : i32
          %mul3A_114 = arith.constant 16 : i32
          %mul3A_115 = arith.muli %add3A_113, %mul3A_114 : i32
          %get3A_116 = arith.index_cast %mul3A_115 : i32 to index
          %get3A_117 = tpu.vector_load %arg9[%get3A_116] {strides = array<i32>} : memref<16384xf32, #tpu.memory_space<vmem>>, vector<16xf32>,
          %broadcast_in_dim3A_118 = arith.constant 1 : i32
          %broadcast_in_dim3A_119 = vector.broadcast %broadcast_in_dim3A_118 : i32 to vector<16xi32>
          %lt3A_120 = arith.constant 0 : i32
          %lt3A_121 = vector.broadcast %lt3A_120 : i32 to vector<16xi32>
          %lt3A_122 = arith.cmpi slt, %broadcast_in_dim3A_119, %lt3A_121 : vector<16xi32>
          %add3A_123 = arith.constant 16 : i32
          %add3A_124 = vector.broadcast %add3A_123 : i32 to vector<16xi32>
          %add3A_125 = arith.addi %broadcast_in_dim3A_119, %add3A_124 : vector<16xi32>
          %select_n3A_126 = arith.select %lt3A_122, %add3A_125, %broadcast_in_dim3A_119 : vector<16xi1>, vector<16xi32>
          %broadcast_in_dim3A_127 = vector.shape_cast %select_n3A_126 : vector<16xi32> to vector<16x1xi32>
          %gather3A_128 = vector.shape_cast %broadcast_in_dim3A_127 : vector<16x1xi32> to vector<16xi32>
          %gather3A_129 = tpu.dynamic_gather %mul3A_90[%gather3A_128] in [0] : vector<16xi32>, vector<16xi32> -> vector<16xi32>
          %add3A_130 = arith.addi %gather3A_129, %iota3A : vector<16xi32>
          tpu.vector_store_idx %arg11[%add3A_130], %get3A_117 {add = true} : memref<1024xf32, #tpu.memory_space<vmem>>[vector<16xi32>], vector<16xf32>,
          %mul3A_131 = arith.constant 16 : i32
          %mul3A_132 = arith.muli %scan3A_73, %mul3A_131 : i32
          %add3A_133 = arith.constant 2 : i32
          %add3A_134 = arith.addi %mul3A_132, %add3A_133 : i32
          %mul3A_135 = arith.constant 16 : i32
          %mul3A_136 = arith.muli %add3A_134, %mul3A_135 : i32
          %get3A_137 = arith.index_cast %mul3A_136 : i32 to index
          %get3A_138 = tpu.vector_load %arg9[%get3A_137] {strides = array<i32>} : memref<16384xf32, #tpu.memory_space<vmem>>, vector<16xf32>,
          %broadcast_in_dim3A_139 = arith.constant 2 : i32
          %broadcast_in_dim3A_140 = vector.broadcast %broadcast_in_dim3A_139 : i32 to vector<16xi32>
          %lt3A_141 = arith.constant 0 : i32
          %lt3A_142 = vector.broadcast %lt3A_141 : i32 to vector<16xi32>
          %lt3A_143 = arith.cmpi slt, %broadcast_in_dim3A_140, %lt3A_142 : vector<16xi32>
          %add3A_144 = arith.constant 16 : i32
          %add3A_145 = vector.broadcast %add3A_144 : i32 to vector<16xi32>
          %add3A_146 = arith.addi %broadcast_in_dim3A_140, %add3A_145 : vector<16xi32>
          %select_n3A_147 = arith.select %lt3A_143, %add3A_146, %broadcast_in_dim3A_140 : vector<16xi1>, vector<16xi32>
          %broadcast_in_dim3A_148 = vector.shape_cast %select_n3A_147 : vector<16xi32> to vector<16x1xi32>
          %gather3A_149 = vector.shape_cast %broadcast_in_dim3A_148 : vector<16x1xi32> to vector<16xi32>
          %gather3A_150 = tpu.dynamic_gather %mul3A_90[%gather3A_149] in [0] : vector<16xi32>, vector<16xi32> -> vector<16xi32>
          %add3A_151 = arith.addi %gather3A_150, %iota3A : vector<16xi32>
          tpu.vector_store_idx %arg11[%add3A_151], %get3A_138 {add = true} : memref<1024xf32, #tpu.memory_space<vmem>>[vector<16xi32>], vector<16xf32>,
          %mul3A_152 = arith.constant 16 : i32
          %mul3A_153 = arith.muli %scan3A_73, %mul3A_152 : i32
          %add3A_154 = arith.constant 3 : i32
          %add3A_155 = arith.addi %mul3A_153, %add3A_154 : i32
          %mul3A_156 = arith.constant 16 : i32
          %mul3A_157 = arith.muli %add3A_155, %mul3A_156 : i32
          %get3A_158 = arith.index_cast %mul3A_157 : i32 to index
          %get3A_159 = tpu.vector_load %arg9[%get3A_158] {strides = array<i32>} : memref<16384xf32, #tpu.memory_space<vmem>>, vector<16xf32>,
          %broadcast_in_dim3A_160 = arith.constant 3 : i32
          %broadcast_in_dim3A_161 = vector.broadcast %broadcast_in_dim3A_160 : i32 to vector<16xi32>
          %lt3A_162 = arith.constant 0 : i32
          %lt3A_163 = vector.broadcast %lt3A_162 : i32 to vector<16xi32>
          %lt3A_164 = arith.cmpi slt, %broadcast_in_dim3A_161, %lt3A_163 : vector<16xi32>
          %add3A_165 = arith.constant 16 : i32
          %add3A_166 = vector.broadcast %add3A_165 : i32 to vector<16xi32>
          %add3A_167 = arith.addi %broadcast_in_dim3A_161, %add3A_166 : vector<16xi32>
          %select_n3A_168 = arith.select %lt3A_164, %add3A_167, %broadcast_in_dim3A_161 : vector<16xi1>, vector<16xi32>
          %broadcast_in_dim3A_169 = vector.shape_cast %select_n3A_168 : vector<16xi32> to vector<16x1xi32>
          %gather3A_170 = vector.shape_cast %broadcast_in_dim3A_169 : vector<16x1xi32> to vector<16xi32>
          %gather3A_171 = tpu.dynamic_gather %mul3A_90[%gather3A_170] in [0] : vector<16xi32>, vector<16xi32> -> vector<16xi32>
          %add3A_172 = arith.addi %gather3A_171, %iota3A : vector<16xi32>
          tpu.vector_store_idx %arg11[%add3A_172], %get3A_159 {add = true} : memref<1024xf32, #tpu.memory_space<vmem>>[vector<16xi32>], vector<16xf32>,
          %mul3A_173 = arith.constant 16 : i32
          %mul3A_174 = arith.muli %scan3A_73, %mul3A_173 : i32
          %add3A_175 = arith.constant 4 : i32
          %add3A_176 = arith.addi %mul3A_174, %add3A_175 : i32
          %mul3A_177 = arith.constant 16 : i32
          %mul3A_178 = arith.muli %add3A_176, %mul3A_177 : i32
          %get3A_179 = arith.index_cast %mul3A_178 : i32 to index
          %get3A_180 = tpu.vector_load %arg9[%get3A_179] {strides = array<i32>} : memref<16384xf32, #tpu.memory_space<vmem>>, vector<16xf32>,
          %broadcast_in_dim3A_181 = arith.constant 4 : i32
          %broadcast_in_dim3A_182 = vector.broadcast %broadcast_in_dim3A_181 : i32 to vector<16xi32>
          %lt3A_183 = arith.constant 0 : i32
          %lt3A_184 = vector.broadcast %lt3A_183 : i32 to vector<16xi32>
          %lt3A_185 = arith.cmpi slt, %broadcast_in_dim3A_182, %lt3A_184 : vector<16xi32>
          %add3A_186 = arith.constant 16 : i32
          %add3A_187 = vector.broadcast %add3A_186 : i32 to vector<16xi32>
          %add3A_188 = arith.addi %broadcast_in_dim3A_182, %add3A_187 : vector<16xi32>
          %select_n3A_189 = arith.select %lt3A_185, %add3A_188, %broadcast_in_dim3A_182 : vector<16xi1>, vector<16xi32>
          %broadcast_in_dim3A_190 = vector.shape_cast %select_n3A_189 : vector<16xi32> to vector<16x1xi32>
          %gather3A_191 = vector.shape_cast %broadcast_in_dim3A_190 : vector<16x1xi32> to vector<16xi32>
          %gather3A_192 = tpu.dynamic_gather %mul3A_90[%gather3A_191] in [0] : vector<16xi32>, vector<16xi32> -> vector<16xi32>
          %add3A_193 = arith.addi %gather3A_192, %iota3A : vector<16xi32>
          tpu.vector_store_idx %arg11[%add3A_193], %get3A_180 {add = true} : memref<1024xf32, #tpu.memory_space<vmem>>[vector<16xi32>], vector<16xf32>,
          %mul3A_194 = arith.constant 16 : i32
          %mul3A_195 = arith.muli %scan3A_73, %mul3A_194 : i32
          %add3A_196 = arith.constant 5 : i32
          %add3A_197 = arith.addi %mul3A_195, %add3A_196 : i32
          %mul3A_198 = arith.constant 16 : i32
          %mul3A_199 = arith.muli %add3A_197, %mul3A_198 : i32
          %get3A_200 = arith.index_cast %mul3A_199 : i32 to index
          %get3A_201 = tpu.vector_load %arg9[%get3A_200] {strides = array<i32>} : memref<16384xf32, #tpu.memory_space<vmem>>, vector<16xf32>,
          %broadcast_in_dim3A_202 = arith.constant 5 : i32
          %broadcast_in_dim3A_203 = vector.broadcast %broadcast_in_dim3A_202 : i32 to vector<16xi32>
          %lt3A_204 = arith.constant 0 : i32
          %lt3A_205 = vector.broadcast %lt3A_204 : i32 to vector<16xi32>
          %lt3A_206 = arith.cmpi slt, %broadcast_in_dim3A_203, %lt3A_205 : vector<16xi32>
          %add3A_207 = arith.constant 16 : i32
          %add3A_208 = vector.broadcast %add3A_207 : i32 to vector<16xi32>
          %add3A_209 = arith.addi %broadcast_in_dim3A_203, %add3A_208 : vector<16xi32>
          %select_n3A_210 = arith.select %lt3A_206, %add3A_209, %broadcast_in_dim3A_203 : vector<16xi1>, vector<16xi32>
          %broadcast_in_dim3A_211 = vector.shape_cast %select_n3A_210 : vector<16xi32> to vector<16x1xi32>
          %gather3A_212 = vector.shape_cast %broadcast_in_dim3A_211 : vector<16x1xi32> to vector<16xi32>
          %gather3A_213 = tpu.dynamic_gather %mul3A_90[%gather3A_212] in [0] : vector<16xi32>, vector<16xi32> -> vector<16xi32>
          %add3A_214 = arith.addi %gather3A_213, %iota3A : vector<16xi32>
          tpu.vector_store_idx %arg11[%add3A_214], %get3A_201 {add = true} : memref<1024xf32, #tpu.memory_space<vmem>>[vector<16xi32>], vector<16xf32>,
          %mul3A_215 = arith.constant 16 : i32
          %mul3A_216 = arith.muli %scan3A_73, %mul3A_215 : i32
          %add3A_217 = arith.constant 6 : i32
          %add3A_218 = arith.addi %mul3A_216, %add3A_217 : i32
          %mul3A_219 = arith.constant 16 : i32
          %mul3A_220 = arith.muli %add3A_218, %mul3A_219 : i32
          %get3A_221 = arith.index_cast %mul3A_220 : i32 to index
          %get3A_222 = tpu.vector_load %arg9[%get3A_221] {strides = array<i32>} : memref<16384xf32, #tpu.memory_space<vmem>>, vector<16xf32>,
          %broadcast_in_dim3A_223 = arith.constant 6 : i32
          %broadcast_in_dim3A_224 = vector.broadcast %broadcast_in_dim3A_223 : i32 to vector<16xi32>
          %lt3A_225 = arith.constant 0 : i32
          %lt3A_226 = vector.broadcast %lt3A_225 : i32 to vector<16xi32>
          %lt3A_227 = arith.cmpi slt, %broadcast_in_dim3A_224, %lt3A_226 : vector<16xi32>
          %add3A_228 = arith.constant 16 : i32
          %add3A_229 = vector.broadcast %add3A_228 : i32 to vector<16xi32>
          %add3A_230 = arith.addi %broadcast_in_dim3A_224, %add3A_229 : vector<16xi32>
          %select_n3A_231 = arith.select %lt3A_227, %add3A_230, %broadcast_in_dim3A_224 : vector<16xi1>, vector<16xi32>
          %broadcast_in_dim3A_232 = vector.shape_cast %select_n3A_231 : vector<16xi32> to vector<16x1xi32>
          %gather3A_233 = vector.shape_cast %broadcast_in_dim3A_232 : vector<16x1xi32> to vector<16xi32>
          %gather3A_234 = tpu.dynamic_gather %mul3A_90[%gather3A_233] in [0] : vector<16xi32>, vector<16xi32> -> vector<16xi32>
          %add3A_235 = arith.addi %gather3A_234, %iota3A : vector<16xi32>
          tpu.vector_store_idx %arg11[%add3A_235], %get3A_222 {add = true} : memref<1024xf32, #tpu.memory_space<vmem>>[vector<16xi32>], vector<16xf32>,
          %mul3A_236 = arith.constant 16 : i32
          %mul3A_237 = arith.muli %scan3A_73, %mul3A_236 : i32
          %add3A_238 = arith.constant 7 : i32
          %add3A_239 = arith.addi %mul3A_237, %add3A_238 : i32
          %mul3A_240 = arith.constant 16 : i32
          %mul3A_241 = arith.muli %add3A_239, %mul3A_240 : i32
          %get3A_242 = arith.index_cast %mul3A_241 : i32 to index
          %get3A_243 = tpu.vector_load %arg9[%get3A_242] {strides = array<i32>} : memref<16384xf32, #tpu.memory_space<vmem>>, vector<16xf32>,
          %broadcast_in_dim3A_244 = arith.constant 7 : i32
          %broadcast_in_dim3A_245 = vector.broadcast %broadcast_in_dim3A_244 : i32 to vector<16xi32>
          %lt3A_246 = arith.constant 0 : i32
          %lt3A_247 = vector.broadcast %lt3A_246 : i32 to vector<16xi32>
          %lt3A_248 = arith.cmpi slt, %broadcast_in_dim3A_245, %lt3A_247 : vector<16xi32>
          %add3A_249 = arith.constant 16 : i32
          %add3A_250 = vector.broadcast %add3A_249 : i32 to vector<16xi32>
          %add3A_251 = arith.addi %broadcast_in_dim3A_245, %add3A_250 : vector<16xi32>
          %select_n3A_252 = arith.select %lt3A_248, %add3A_251, %broadcast_in_dim3A_245 : vector<16xi1>, vector<16xi32>
          %broadcast_in_dim3A_253 = vector.shape_cast %select_n3A_252 : vector<16xi32> to vector<16x1xi32>
          %gather3A_254 = vector.shape_cast %broadcast_in_dim3A_253 : vector<16x1xi32> to vector<16xi32>
          %gather3A_255 = tpu.dynamic_gather %mul3A_90[%gather3A_254] in [0] : vector<16xi32>, vector<16xi32> -> vector<16xi32>
          %add3A_256 = arith.addi %gather3A_255, %iota3A : vector<16xi32>
          tpu.vector_store_idx %arg11[%add3A_256], %get3A_243 {add = true} : memref<1024xf32, #tpu.memory_space<vmem>>[vector<16xi32>], vector<16xf32>,
          %mul3A_257 = arith.constant 16 : i32
          %mul3A_258 = arith.muli %scan3A_73, %mul3A_257 : i32
          %add3A_259 = arith.constant 8 : i32
          %add3A_260 = arith.addi %mul3A_258, %add3A_259 : i32
          %mul3A_261 = arith.constant 16 : i32
          %mul3A_262 = arith.muli %add3A_260, %mul3A_261 : i32
          %get3A_263 = arith.index_cast %mul3A_262 : i32 to index
          %get3A_264 = tpu.vector_load %arg9[%get3A_263] {strides = array<i32>} : memref<16384xf32, #tpu.memory_space<vmem>>, vector<16xf32>,
          %broadcast_in_dim3A_265 = arith.constant 8 : i32
          %broadcast_in_dim3A_266 = vector.broadcast %broadcast_in_dim3A_265 : i32 to vector<16xi32>
          %lt3A_267 = arith.constant 0 : i32
          %lt3A_268 = vector.broadcast %lt3A_267 : i32 to vector<16xi32>
          %lt3A_269 = arith.cmpi slt, %broadcast_in_dim3A_266, %lt3A_268 : vector<16xi32>
          %add3A_270 = arith.constant 16 : i32
          %add3A_271 = vector.broadcast %add3A_270 : i32 to vector<16xi32>
          %add3A_272 = arith.addi %broadcast_in_dim3A_266, %add3A_271 : vector<16xi32>
          %select_n3A_273 = arith.select %lt3A_269, %add3A_272, %broadcast_in_dim3A_266 : vector<16xi1>, vector<16xi32>
          %broadcast_in_dim3A_274 = vector.shape_cast %select_n3A_273 : vector<16xi32> to vector<16x1xi32>
          %gather3A_275 = vector.shape_cast %broadcast_in_dim3A_274 : vector<16x1xi32> to vector<16xi32>
          %gather3A_276 = tpu.dynamic_gather %mul3A_90[%gather3A_275] in [0] : vector<16xi32>, vector<16xi32> -> vector<16xi32>
          %add3A_277 = arith.addi %gather3A_276, %iota3A : vector<16xi32>
          tpu.vector_store_idx %arg11[%add3A_277], %get3A_264 {add = true} : memref<1024xf32, #tpu.memory_space<vmem>>[vector<16xi32>], vector<16xf32>,
          %mul3A_278 = arith.constant 16 : i32
          %mul3A_279 = arith.muli %scan3A_73, %mul3A_278 : i32
          %add3A_280 = arith.constant 9 : i32
          %add3A_281 = arith.addi %mul3A_279, %add3A_280 : i32
          %mul3A_282 = arith.constant 16 : i32
          %mul3A_283 = arith.muli %add3A_281, %mul3A_282 : i32
          %get3A_284 = arith.index_cast %mul3A_283 : i32 to index
          %get3A_285 = tpu.vector_load %arg9[%get3A_284] {strides = array<i32>} : memref<16384xf32, #tpu.memory_space<vmem>>, vector<16xf32>,
          %broadcast_in_dim3A_286 = arith.constant 9 : i32
          %broadcast_in_dim3A_287 = vector.broadcast %broadcast_in_dim3A_286 : i32 to vector<16xi32>
          %lt3A_288 = arith.constant 0 : i32
          %lt3A_289 = vector.broadcast %lt3A_288 : i32 to vector<16xi32>
          %lt3A_290 = arith.cmpi slt, %broadcast_in_dim3A_287, %lt3A_289 : vector<16xi32>
          %add3A_291 = arith.constant 16 : i32
          %add3A_292 = vector.broadcast %add3A_291 : i32 to vector<16xi32>
          %add3A_293 = arith.addi %broadcast_in_dim3A_287, %add3A_292 : vector<16xi32>
          %select_n3A_294 = arith.select %lt3A_290, %add3A_293, %broadcast_in_dim3A_287 : vector<16xi1>, vector<16xi32>
          %broadcast_in_dim3A_295 = vector.shape_cast %select_n3A_294 : vector<16xi32> to vector<16x1xi32>
          %gather3A_296 = vector.shape_cast %broadcast_in_dim3A_295 : vector<16x1xi32> to vector<16xi32>
          %gather3A_297 = tpu.dynamic_gather %mul3A_90[%gather3A_296] in [0] : vector<16xi32>, vector<16xi32> -> vector<16xi32>
          %add3A_298 = arith.addi %gather3A_297, %iota3A : vector<16xi32>
          tpu.vector_store_idx %arg11[%add3A_298], %get3A_285 {add = true} : memref<1024xf32, #tpu.memory_space<vmem>>[vector<16xi32>], vector<16xf32>,
          %mul3A_299 = arith.constant 16 : i32
          %mul3A_300 = arith.muli %scan3A_73, %mul3A_299 : i32
          %add3A_301 = arith.constant 10 : i32
          %add3A_302 = arith.addi %mul3A_300, %add3A_301 : i32
          %mul3A_303 = arith.constant 16 : i32
          %mul3A_304 = arith.muli %add3A_302, %mul3A_303 : i32
          %get3A_305 = arith.index_cast %mul3A_304 : i32 to index
          %get3A_306 = tpu.vector_load %arg9[%get3A_305] {strides = array<i32>} : memref<16384xf32, #tpu.memory_space<vmem>>, vector<16xf32>,
          %broadcast_in_dim3A_307 = arith.constant 10 : i32
          %broadcast_in_dim3A_308 = vector.broadcast %broadcast_in_dim3A_307 : i32 to vector<16xi32>
          %lt3A_309 = arith.constant 0 : i32
          %lt3A_310 = vector.broadcast %lt3A_309 : i32 to vector<16xi32>
          %lt3A_311 = arith.cmpi slt, %broadcast_in_dim3A_308, %lt3A_310 : vector<16xi32>
          %add3A_312 = arith.constant 16 : i32
          %add3A_313 = vector.broadcast %add3A_312 : i32 to vector<16xi32>
          %add3A_314 = arith.addi %broadcast_in_dim3A_308, %add3A_313 : vector<16xi32>
          %select_n3A_315 = arith.select %lt3A_311, %add3A_314, %broadcast_in_dim3A_308 : vector<16xi1>, vector<16xi32>
          %broadcast_in_dim3A_316 = vector.shape_cast %select_n3A_315 : vector<16xi32> to vector<16x1xi32>
          %gather3A_317 = vector.shape_cast %broadcast_in_dim3A_316 : vector<16x1xi32> to vector<16xi32>
          %gather3A_318 = tpu.dynamic_gather %mul3A_90[%gather3A_317] in [0] : vector<16xi32>, vector<16xi32> -> vector<16xi32>
          %add3A_319 = arith.addi %gather3A_318, %iota3A : vector<16xi32>
          tpu.vector_store_idx %arg11[%add3A_319], %get3A_306 {add = true} : memref<1024xf32, #tpu.memory_space<vmem>>[vector<16xi32>], vector<16xf32>,
          %mul3A_320 = arith.constant 16 : i32
          %mul3A_321 = arith.muli %scan3A_73, %mul3A_320 : i32
          %add3A_322 = arith.constant 11 : i32
          %add3A_323 = arith.addi %mul3A_321, %add3A_322 : i32
          %mul3A_324 = arith.constant 16 : i32
          %mul3A_325 = arith.muli %add3A_323, %mul3A_324 : i32
          %get3A_326 = arith.index_cast %mul3A_325 : i32 to index
          %get3A_327 = tpu.vector_load %arg9[%get3A_326] {strides = array<i32>} : memref<16384xf32, #tpu.memory_space<vmem>>, vector<16xf32>,
          %broadcast_in_dim3A_328 = arith.constant 11 : i32
          %broadcast_in_dim3A_329 = vector.broadcast %broadcast_in_dim3A_328 : i32 to vector<16xi32>
          %lt3A_330 = arith.constant 0 : i32
          %lt3A_331 = vector.broadcast %lt3A_330 : i32 to vector<16xi32>
          %lt3A_332 = arith.cmpi slt, %broadcast_in_dim3A_329, %lt3A_331 : vector<16xi32>
          %add3A_333 = arith.constant 16 : i32
          %add3A_334 = vector.broadcast %add3A_333 : i32 to vector<16xi32>
          %add3A_335 = arith.addi %broadcast_in_dim3A_329, %add3A_334 : vector<16xi32>
          %select_n3A_336 = arith.select %lt3A_332, %add3A_335, %broadcast_in_dim3A_329 : vector<16xi1>, vector<16xi32>
          %broadcast_in_dim3A_337 = vector.shape_cast %select_n3A_336 : vector<16xi32> to vector<16x1xi32>
          %gather3A_338 = vector.shape_cast %broadcast_in_dim3A_337 : vector<16x1xi32> to vector<16xi32>
          %gather3A_339 = tpu.dynamic_gather %mul3A_90[%gather3A_338] in [0] : vector<16xi32>, vector<16xi32> -> vector<16xi32>
          %add3A_340 = arith.addi %gather3A_339, %iota3A : vector<16xi32>
          tpu.vector_store_idx %arg11[%add3A_340], %get3A_327 {add = true} : memref<1024xf32, #tpu.memory_space<vmem>>[vector<16xi32>], vector<16xf32>,
          %mul3A_341 = arith.constant 16 : i32
          %mul3A_342 = arith.muli %scan3A_73, %mul3A_341 : i32
          %add3A_343 = arith.constant 12 : i32
          %add3A_344 = arith.addi %mul3A_342, %add3A_343 : i32
          %mul3A_345 = arith.constant 16 : i32
          %mul3A_346 = arith.muli %add3A_344, %mul3A_345 : i32
          %get3A_347 = arith.index_cast %mul3A_346 : i32 to index
          %get3A_348 = tpu.vector_load %arg9[%get3A_347] {strides = array<i32>} : memref<16384xf32, #tpu.memory_space<vmem>>, vector<16xf32>,
          %broadcast_in_dim3A_349 = arith.constant 12 : i32
          %broadcast_in_dim3A_350 = vector.broadcast %broadcast_in_dim3A_349 : i32 to vector<16xi32>
          %lt3A_351 = arith.constant 0 : i32
          %lt3A_352 = vector.broadcast %lt3A_351 : i32 to vector<16xi32>
          %lt3A_353 = arith.cmpi slt, %broadcast_in_dim3A_350, %lt3A_352 : vector<16xi32>
          %add3A_354 = arith.constant 16 : i32
          %add3A_355 = vector.broadcast %add3A_354 : i32 to vector<16xi32>
          %add3A_356 = arith.addi %broadcast_in_dim3A_350, %add3A_355 : vector<16xi32>
          %select_n3A_357 = arith.select %lt3A_353, %add3A_356, %broadcast_in_dim3A_350 : vector<16xi1>, vector<16xi32>
          %broadcast_in_dim3A_358 = vector.shape_cast %select_n3A_357 : vector<16xi32> to vector<16x1xi32>
          %gather3A_359 = vector.shape_cast %broadcast_in_dim3A_358 : vector<16x1xi32> to vector<16xi32>
          %gather3A_360 = tpu.dynamic_gather %mul3A_90[%gather3A_359] in [0] : vector<16xi32>, vector<16xi32> -> vector<16xi32>
          %add3A_361 = arith.addi %gather3A_360, %iota3A : vector<16xi32>
          tpu.vector_store_idx %arg11[%add3A_361], %get3A_348 {add = true} : memref<1024xf32, #tpu.memory_space<vmem>>[vector<16xi32>], vector<16xf32>,
          %mul3A_362 = arith.constant 16 : i32
          %mul3A_363 = arith.muli %scan3A_73, %mul3A_362 : i32
          %add3A_364 = arith.constant 13 : i32
          %add3A_365 = arith.addi %mul3A_363, %add3A_364 : i32
          %mul3A_366 = arith.constant 16 : i32
          %mul3A_367 = arith.muli %add3A_365, %mul3A_366 : i32
          %get3A_368 = arith.index_cast %mul3A_367 : i32 to index
          %get3A_369 = tpu.vector_load %arg9[%get3A_368] {strides = array<i32>} : memref<16384xf32, #tpu.memory_space<vmem>>, vector<16xf32>,
          %broadcast_in_dim3A_370 = arith.constant 13 : i32
          %broadcast_in_dim3A_371 = vector.broadcast %broadcast_in_dim3A_370 : i32 to vector<16xi32>
          %lt3A_372 = arith.constant 0 : i32
          %lt3A_373 = vector.broadcast %lt3A_372 : i32 to vector<16xi32>
          %lt3A_374 = arith.cmpi slt, %broadcast_in_dim3A_371, %lt3A_373 : vector<16xi32>
          %add3A_375 = arith.constant 16 : i32
          %add3A_376 = vector.broadcast %add3A_375 : i32 to vector<16xi32>
          %add3A_377 = arith.addi %broadcast_in_dim3A_371, %add3A_376 : vector<16xi32>
          %select_n3A_378 = arith.select %lt3A_374, %add3A_377, %broadcast_in_dim3A_371 : vector<16xi1>, vector<16xi32>
          %broadcast_in_dim3A_379 = vector.shape_cast %select_n3A_378 : vector<16xi32> to vector<16x1xi32>
          %gather3A_380 = vector.shape_cast %broadcast_in_dim3A_379 : vector<16x1xi32> to vector<16xi32>
          %gather3A_381 = tpu.dynamic_gather %mul3A_90[%gather3A_380] in [0] : vector<16xi32>, vector<16xi32> -> vector<16xi32>
          %add3A_382 = arith.addi %gather3A_381, %iota3A : vector<16xi32>
          tpu.vector_store_idx %arg11[%add3A_382], %get3A_369 {add = true} : memref<1024xf32, #tpu.memory_space<vmem>>[vector<16xi32>], vector<16xf32>,
          %mul3A_383 = arith.constant 16 : i32
          %mul3A_384 = arith.muli %scan3A_73, %mul3A_383 : i32
          %add3A_385 = arith.constant 14 : i32
          %add3A_386 = arith.addi %mul3A_384, %add3A_385 : i32
          %mul3A_387 = arith.constant 16 : i32
          %mul3A_388 = arith.muli %add3A_386, %mul3A_387 : i32
          %get3A_389 = arith.index_cast %mul3A_388 : i32 to index
          %get3A_390 = tpu.vector_load %arg9[%get3A_389] {strides = array<i32>} : memref<16384xf32, #tpu.memory_space<vmem>>, vector<16xf32>,
          %broadcast_in_dim3A_391 = arith.constant 14 : i32
          %broadcast_in_dim3A_392 = vector.broadcast %broadcast_in_dim3A_391 : i32 to vector<16xi32>
          %lt3A_393 = arith.constant 0 : i32
          %lt3A_394 = vector.broadcast %lt3A_393 : i32 to vector<16xi32>
          %lt3A_395 = arith.cmpi slt, %broadcast_in_dim3A_392, %lt3A_394 : vector<16xi32>
          %add3A_396 = arith.constant 16 : i32
          %add3A_397 = vector.broadcast %add3A_396 : i32 to vector<16xi32>
          %add3A_398 = arith.addi %broadcast_in_dim3A_392, %add3A_397 : vector<16xi32>
          %select_n3A_399 = arith.select %lt3A_395, %add3A_398, %broadcast_in_dim3A_392 : vector<16xi1>, vector<16xi32>
          %broadcast_in_dim3A_400 = vector.shape_cast %select_n3A_399 : vector<16xi32> to vector<16x1xi32>
          %gather3A_401 = vector.shape_cast %broadcast_in_dim3A_400 : vector<16x1xi32> to vector<16xi32>
          %gather3A_402 = tpu.dynamic_gather %mul3A_90[%gather3A_401] in [0] : vector<16xi32>, vector<16xi32> -> vector<16xi32>
          %add3A_403 = arith.addi %gather3A_402, %iota3A : vector<16xi32>
          tpu.vector_store_idx %arg11[%add3A_403], %get3A_390 {add = true} : memref<1024xf32, #tpu.memory_space<vmem>>[vector<16xi32>], vector<16xf32>,
          %mul3A_404 = arith.constant 16 : i32
          %mul3A_405 = arith.muli %scan3A_73, %mul3A_404 : i32
          %add3A_406 = arith.constant 15 : i32
          %add3A_407 = arith.addi %mul3A_405, %add3A_406 : i32
          %mul3A_408 = arith.constant 16 : i32
          %mul3A_409 = arith.muli %add3A_407, %mul3A_408 : i32
          %get3A_410 = arith.index_cast %mul3A_409 : i32 to index
          %get3A_411 = tpu.vector_load %arg9[%get3A_410] {strides = array<i32>} : memref<16384xf32, #tpu.memory_space<vmem>>, vector<16xf32>,
          %broadcast_in_dim3A_412 = arith.constant 15 : i32
          %broadcast_in_dim3A_413 = vector.broadcast %broadcast_in_dim3A_412 : i32 to vector<16xi32>
          %lt3A_414 = arith.constant 0 : i32
          %lt3A_415 = vector.broadcast %lt3A_414 : i32 to vector<16xi32>
          %lt3A_416 = arith.cmpi slt, %broadcast_in_dim3A_413, %lt3A_415 : vector<16xi32>
          %add3A_417 = arith.constant 16 : i32
          %add3A_418 = vector.broadcast %add3A_417 : i32 to vector<16xi32>
          %add3A_419 = arith.addi %broadcast_in_dim3A_413, %add3A_418 : vector<16xi32>
          %select_n3A_420 = arith.select %lt3A_416, %add3A_419, %broadcast_in_dim3A_413 : vector<16xi1>, vector<16xi32>
          %broadcast_in_dim3A_421 = vector.shape_cast %select_n3A_420 : vector<16xi32> to vector<16x1xi32>
          %gather3A_422 = vector.shape_cast %broadcast_in_dim3A_421 : vector<16x1xi32> to vector<16xi32>
          %gather3A_423 = tpu.dynamic_gather %mul3A_90[%gather3A_422] in [0] : vector<16xi32>, vector<16xi32> -> vector<16xi32>
          %add3A_424 = arith.addi %gather3A_423, %iota3A : vector<16xi32>
          tpu.vector_store_idx %arg11[%add3A_424], %get3A_411 {add = true} : memref<1024xf32, #tpu.memory_space<vmem>>[vector<16xi32>], vector<16xf32>,
        }
        %scan3A_72 = arith.constant 64 : i32
      } else {
      }
      %add3A_37 = arith.constant 2 : i32
      %add3A_38 = arith.addi %mul3A_18, %add3A_37 : i32
      %mul3A_39 = arith.constant 32 : i32
      %mul3A_40 = arith.muli %add3A_38, %mul3A_39 : i32
      %add3A_41 = arith.addi %add3A, %mul3A_40 : i32
      %lt3A_42 = arith.constant 3125 : i32
      %lt3A_43 = arith.cmpi slt, %add3A_41, %lt3A_42 : i32
      %convert_element_type3A_44 = arith.extui %lt3A_43 : i1 to i32
      %cond3A_45 = arith.constant 0 : i32
      %cond3A_46 = arith.cmpi ne, %convert_element_type3A_44, %cond3A_45 : i32
      scf.if %cond3A_46 {
        %mul3A_57 = arith.constant 1024 : i32
        %mul3A_58 = arith.muli %add3A_41, %mul3A_57 : i32
        %dma_start3A = arith.constant 0 : i32
        %dma_start3A_59 = tpu.memref_slice %arg2[%dma_start3A, %mul3A_58] : memref<2x3200000xi32, #tpu.memory_space<hbm>> -> memref<1x1024xi32, #tpu.memory_space<hbm>>
        %dma_start3A_60 = tpu.memref_squeeze %dma_start3A_59 : memref<1x1024xi32, #tpu.memory_space<hbm>> -> memref<1024xi32, #tpu.memory_space<hbm>>
        %dma_start3A_61 = tpu.memref_slice %arg2[%dma_start3A, %mul3A_58] : memref<2x3200000xi32, #tpu.memory_space<hbm>> -> memref<1x1024xi32, #tpu.memory_space<hbm>>
        %dma_start3A_62 = tpu.memref_squeeze %dma_start3A_61 : memref<1x1024xi32, #tpu.memory_space<hbm>> -> memref<1024xi32, #tpu.memory_space<hbm>>
        tpu.enqueue_dma source(%dma_start3A_62 : memref<1024xi32, #tpu.memory_space<hbm>>) target(%arg7 : memref<1024xi32, #tpu.memory_space<vmem>>) target_semaphore(%arg12 : memref<!tpu.dma_semaphore, #tpu.memory_space<semaphore_mem>>)
        %mul3A_63 = arith.constant 16 : i32
        %mul3A_64 = arith.muli %mul3A_58, %mul3A_63 : i32
        %dma_start3A_65 = tpu.memref_slice %arg3[%mul3A_64] : memref<51200000xf32, #tpu.memory_space<hbm>> -> memref<16384xf32, #tpu.memory_space<hbm>>
        %dma_start3A_66 = tpu.memref_slice %arg3[%mul3A_64] : memref<51200000xf32, #tpu.memory_space<hbm>> -> memref<16384xf32, #tpu.memory_space<hbm>>
        tpu.enqueue_dma source(%dma_start3A_66 : memref<16384xf32, #tpu.memory_space<hbm>>) target(%arg9 : memref<16384xf32, #tpu.memory_space<vmem>>) target_semaphore(%arg14 : memref<!tpu.dma_semaphore, #tpu.memory_space<semaphore_mem>>)
      } else {
      }
      %add3A_47 = arith.constant 1 : i32
      %add3A_48 = arith.addi %mul3A_18, %add3A_47 : i32
      %mul3A_49 = arith.constant 32 : i32
      %mul3A_50 = arith.muli %add3A_48, %mul3A_49 : i32
      %add3A_51 = arith.addi %add3A, %mul3A_50 : i32
      %lt3A_52 = arith.constant 3125 : i32
      %lt3A_53 = arith.cmpi slt, %add3A_51, %lt3A_52 : i32
      %convert_element_type3A_54 = arith.extui %lt3A_53 : i1 to i32
      %cond3A_55 = arith.constant 0 : i32
      %cond3A_56 = arith.cmpi ne, %convert_element_type3A_54, %cond3A_55 : i32
      scf.if %cond3A_56 {
        %mul3A_57 = arith.constant 1024 : i32
        %mul3A_58 = arith.muli %add3A_51, %mul3A_57 : i32
        %dma_wait3A = arith.constant 0 : i32
        %dma_wait3A_59 = tpu.memref_slice %arg2[%dma_wait3A, %mul3A_58] : memref<2x3200000xi32, #tpu.memory_space<hbm>> -> memref<1x1024xi32, #tpu.memory_space<hbm>>
        %dma_wait3A_60 = tpu.memref_squeeze %dma_wait3A_59 : memref<1x1024xi32, #tpu.memory_space<hbm>> -> memref<1024xi32, #tpu.memory_space<hbm>>
        %dma_wait3A_61 = tpu.memref_slice %arg2[%dma_wait3A, %mul3A_58] : memref<2x3200000xi32, #tpu.memory_space<hbm>> -> memref<1x1024xi32, #tpu.memory_space<hbm>>
        %dma_wait3A_62 = tpu.memref_squeeze %dma_wait3A_61 : memref<1x1024xi32, #tpu.memory_space<hbm>> -> memref<1024xi32, #tpu.memory_space<hbm>>
        tpu.wait_dma2 semaphore(%arg13 : memref<!tpu.dma_semaphore, #tpu.memory_space<semaphore_mem>>) src(%dma_wait3A_62 : memref<1024xi32, #tpu.memory_space<hbm>>) dst(%arg8 : memref<1024xi32, #tpu.memory_space<vmem>>)
        %mul3A_63 = arith.constant 16 : i32
        %mul3A_64 = arith.muli %mul3A_58, %mul3A_63 : i32
        %dma_wait3A_65 = tpu.memref_slice %arg3[%mul3A_64] : memref<51200000xf32, #tpu.memory_space<hbm>> -> memref<16384xf32, #tpu.memory_space<hbm>>
        %dma_wait3A_66 = tpu.memref_slice %arg3[%mul3A_64] : memref<51200000xf32, #tpu.memory_space<hbm>> -> memref<16384xf32, #tpu.memory_space<hbm>>
        tpu.wait_dma2 semaphore(%arg15 : memref<!tpu.dma_semaphore, #tpu.memory_space<semaphore_mem>>) src(%dma_wait3A_66 : memref<16384xf32, #tpu.memory_space<hbm>>) dst(%arg10 : memref<16384xf32, #tpu.memory_space<vmem>>)
        %scan3A_67 = arith.constant 0 : i32
        %scan3A_68 = arith.constant 0 : i32
        %scan3A_69 = arith.constant 64 : i32
        %scan3A_70 = arith.addi %scan3A_68, %scan3A_69 : i32
        %scan3A_71 = arith.constant 1 : i32
        scf.for %scan3A_73 = %scan3A_68 to %scan3A_70 step %scan3A_71  : i32 {
          %mul3A_74 = arith.constant 16 : i32
          %mul3A_75 = arith.muli %scan3A_73, %mul3A_74 : i32
          %get3A = arith.index_cast %mul3A_75 : i32 to index
          %get3A_76 = tpu.vector_load %arg8[%get3A] {strides = array<i32>} : memref<1024xi32, #tpu.memory_space<vmem>>, vector<16xi32>,
          %shift_right_logical3A = arith.constant 2 : i32
          %shift_right_logical3A_77 = vector.broadcast %shift_right_logical3A : i32 to vector<16xi32>
          %shift_right_logical3A_78 = arith.shrui %get3A_76, %shift_right_logical3A_77 : vector<16xi32>
          %gather3A = tpu.vector_load_idx %arg6[%shift_right_logical3A_78] : memref<25000xi32, #tpu.memory_space<vmem>>[vector<16xi32>], vector<16xi32>,
          %and3A = arith.constant 3 : i32
          %and3A_79 = vector.broadcast %and3A : i32 to vector<16xi32>
          %and3A_80 = arith.andi %get3A_76, %and3A_79 : vector<16xi32>
          %mul3A_81 = arith.constant 8 : i32
          %mul3A_82 = vector.broadcast %mul3A_81 : i32 to vector<16xi32>
          %mul3A_83 = arith.muli %and3A_80, %mul3A_82 : vector<16xi32>
          %shift_right_logical3A_84 = arith.shrui %gather3A, %mul3A_83 : vector<16xi32>
          %and3A_85 = arith.constant 255 : i32
          %and3A_86 = vector.broadcast %and3A_85 : i32 to vector<16xi32>
          %and3A_87 = arith.andi %shift_right_logical3A_84, %and3A_86 : vector<16xi32>
          %mul3A_88 = arith.constant 16 : i32
          %mul3A_89 = vector.broadcast %mul3A_88 : i32 to vector<16xi32>
          %mul3A_90 = arith.muli %and3A_87, %mul3A_89 : vector<16xi32>
          %mul3A_91 = arith.constant 16 : i32
          %mul3A_92 = arith.muli %scan3A_73, %mul3A_91 : i32
          %add3A_93 = arith.constant 0 : i32
          %add3A_94 = arith.addi %mul3A_92, %add3A_93 : i32
          %mul3A_95 = arith.constant 16 : i32
          %mul3A_96 = arith.muli %add3A_94, %mul3A_95 : i32
          %get3A_97 = arith.index_cast %mul3A_96 : i32 to index
          %get3A_98 = tpu.vector_load %arg10[%get3A_97] {strides = array<i32>} : memref<16384xf32, #tpu.memory_space<vmem>>, vector<16xf32>,
          %broadcast_in_dim3A = arith.constant 0 : i32
          %broadcast_in_dim3A_99 = vector.broadcast %broadcast_in_dim3A : i32 to vector<16xi32>
          %lt3A_100 = arith.constant 0 : i32
          %lt3A_101 = vector.broadcast %lt3A_100 : i32 to vector<16xi32>
          %lt3A_102 = arith.cmpi slt, %broadcast_in_dim3A_99, %lt3A_101 : vector<16xi32>
          %add3A_103 = arith.constant 16 : i32
          %add3A_104 = vector.broadcast %add3A_103 : i32 to vector<16xi32>
          %add3A_105 = arith.addi %broadcast_in_dim3A_99, %add3A_104 : vector<16xi32>
          %select_n3A = arith.select %lt3A_102, %add3A_105, %broadcast_in_dim3A_99 : vector<16xi1>, vector<16xi32>
          %broadcast_in_dim3A_106 = vector.shape_cast %select_n3A : vector<16xi32> to vector<16x1xi32>
          %gather3A_107 = vector.shape_cast %broadcast_in_dim3A_106 : vector<16x1xi32> to vector<16xi32>
          %gather3A_108 = tpu.dynamic_gather %mul3A_90[%gather3A_107] in [0] : vector<16xi32>, vector<16xi32> -> vector<16xi32>
          %add3A_109 = arith.addi %gather3A_108, %iota3A : vector<16xi32>
          tpu.vector_store_idx %arg11[%add3A_109], %get3A_98 {add = true} : memref<1024xf32, #tpu.memory_space<vmem>>[vector<16xi32>], vector<16xf32>,
          %mul3A_110 = arith.constant 16 : i32
          %mul3A_111 = arith.muli %scan3A_73, %mul3A_110 : i32
          %add3A_112 = arith.constant 1 : i32
          %add3A_113 = arith.addi %mul3A_111, %add3A_112 : i32
          %mul3A_114 = arith.constant 16 : i32
          %mul3A_115 = arith.muli %add3A_113, %mul3A_114 : i32
          %get3A_116 = arith.index_cast %mul3A_115 : i32 to index
          %get3A_117 = tpu.vector_load %arg10[%get3A_116] {strides = array<i32>} : memref<16384xf32, #tpu.memory_space<vmem>>, vector<16xf32>,
          %broadcast_in_dim3A_118 = arith.constant 1 : i32
          %broadcast_in_dim3A_119 = vector.broadcast %broadcast_in_dim3A_118 : i32 to vector<16xi32>
          %lt3A_120 = arith.constant 0 : i32
          %lt3A_121 = vector.broadcast %lt3A_120 : i32 to vector<16xi32>
          %lt3A_122 = arith.cmpi slt, %broadcast_in_dim3A_119, %lt3A_121 : vector<16xi32>
          %add3A_123 = arith.constant 16 : i32
          %add3A_124 = vector.broadcast %add3A_123 : i32 to vector<16xi32>
          %add3A_125 = arith.addi %broadcast_in_dim3A_119, %add3A_124 : vector<16xi32>
          %select_n3A_126 = arith.select %lt3A_122, %add3A_125, %broadcast_in_dim3A_119 : vector<16xi1>, vector<16xi32>
          %broadcast_in_dim3A_127 = vector.shape_cast %select_n3A_126 : vector<16xi32> to vector<16x1xi32>
          %gather3A_128 = vector.shape_cast %broadcast_in_dim3A_127 : vector<16x1xi32> to vector<16xi32>
          %gather3A_129 = tpu.dynamic_gather %mul3A_90[%gather3A_128] in [0] : vector<16xi32>, vector<16xi32> -> vector<16xi32>
          %add3A_130 = arith.addi %gather3A_129, %iota3A : vector<16xi32>
          tpu.vector_store_idx %arg11[%add3A_130], %get3A_117 {add = true} : memref<1024xf32, #tpu.memory_space<vmem>>[vector<16xi32>], vector<16xf32>,
          %mul3A_131 = arith.constant 16 : i32
          %mul3A_132 = arith.muli %scan3A_73, %mul3A_131 : i32
          %add3A_133 = arith.constant 2 : i32
          %add3A_134 = arith.addi %mul3A_132, %add3A_133 : i32
          %mul3A_135 = arith.constant 16 : i32
          %mul3A_136 = arith.muli %add3A_134, %mul3A_135 : i32
          %get3A_137 = arith.index_cast %mul3A_136 : i32 to index
          %get3A_138 = tpu.vector_load %arg10[%get3A_137] {strides = array<i32>} : memref<16384xf32, #tpu.memory_space<vmem>>, vector<16xf32>,
          %broadcast_in_dim3A_139 = arith.constant 2 : i32
          %broadcast_in_dim3A_140 = vector.broadcast %broadcast_in_dim3A_139 : i32 to vector<16xi32>
          %lt3A_141 = arith.constant 0 : i32
          %lt3A_142 = vector.broadcast %lt3A_141 : i32 to vector<16xi32>
          %lt3A_143 = arith.cmpi slt, %broadcast_in_dim3A_140, %lt3A_142 : vector<16xi32>
          %add3A_144 = arith.constant 16 : i32
          %add3A_145 = vector.broadcast %add3A_144 : i32 to vector<16xi32>
          %add3A_146 = arith.addi %broadcast_in_dim3A_140, %add3A_145 : vector<16xi32>
          %select_n3A_147 = arith.select %lt3A_143, %add3A_146, %broadcast_in_dim3A_140 : vector<16xi1>, vector<16xi32>
          %broadcast_in_dim3A_148 = vector.shape_cast %select_n3A_147 : vector<16xi32> to vector<16x1xi32>
          %gather3A_149 = vector.shape_cast %broadcast_in_dim3A_148 : vector<16x1xi32> to vector<16xi32>
          %gather3A_150 = tpu.dynamic_gather %mul3A_90[%gather3A_149] in [0] : vector<16xi32>, vector<16xi32> -> vector<16xi32>
          %add3A_151 = arith.addi %gather3A_150, %iota3A : vector<16xi32>
          tpu.vector_store_idx %arg11[%add3A_151], %get3A_138 {add = true} : memref<1024xf32, #tpu.memory_space<vmem>>[vector<16xi32>], vector<16xf32>,
          %mul3A_152 = arith.constant 16 : i32
          %mul3A_153 = arith.muli %scan3A_73, %mul3A_152 : i32
          %add3A_154 = arith.constant 3 : i32
          %add3A_155 = arith.addi %mul3A_153, %add3A_154 : i32
          %mul3A_156 = arith.constant 16 : i32
          %mul3A_157 = arith.muli %add3A_155, %mul3A_156 : i32
          %get3A_158 = arith.index_cast %mul3A_157 : i32 to index
          %get3A_159 = tpu.vector_load %arg10[%get3A_158] {strides = array<i32>} : memref<16384xf32, #tpu.memory_space<vmem>>, vector<16xf32>,
          %broadcast_in_dim3A_160 = arith.constant 3 : i32
          %broadcast_in_dim3A_161 = vector.broadcast %broadcast_in_dim3A_160 : i32 to vector<16xi32>
          %lt3A_162 = arith.constant 0 : i32
          %lt3A_163 = vector.broadcast %lt3A_162 : i32 to vector<16xi32>
          %lt3A_164 = arith.cmpi slt, %broadcast_in_dim3A_161, %lt3A_163 : vector<16xi32>
          %add3A_165 = arith.constant 16 : i32
          %add3A_166 = vector.broadcast %add3A_165 : i32 to vector<16xi32>
          %add3A_167 = arith.addi %broadcast_in_dim3A_161, %add3A_166 : vector<16xi32>
          %select_n3A_168 = arith.select %lt3A_164, %add3A_167, %broadcast_in_dim3A_161 : vector<16xi1>, vector<16xi32>
          %broadcast_in_dim3A_169 = vector.shape_cast %select_n3A_168 : vector<16xi32> to vector<16x1xi32>
          %gather3A_170 = vector.shape_cast %broadcast_in_dim3A_169 : vector<16x1xi32> to vector<16xi32>
          %gather3A_171 = tpu.dynamic_gather %mul3A_90[%gather3A_170] in [0] : vector<16xi32>, vector<16xi32> -> vector<16xi32>
          %add3A_172 = arith.addi %gather3A_171, %iota3A : vector<16xi32>
          tpu.vector_store_idx %arg11[%add3A_172], %get3A_159 {add = true} : memref<1024xf32, #tpu.memory_space<vmem>>[vector<16xi32>], vector<16xf32>,
          %mul3A_173 = arith.constant 16 : i32
          %mul3A_174 = arith.muli %scan3A_73, %mul3A_173 : i32
          %add3A_175 = arith.constant 4 : i32
          %add3A_176 = arith.addi %mul3A_174, %add3A_175 : i32
          %mul3A_177 = arith.constant 16 : i32
          %mul3A_178 = arith.muli %add3A_176, %mul3A_177 : i32
          %get3A_179 = arith.index_cast %mul3A_178 : i32 to index
          %get3A_180 = tpu.vector_load %arg10[%get3A_179] {strides = array<i32>} : memref<16384xf32, #tpu.memory_space<vmem>>, vector<16xf32>,
          %broadcast_in_dim3A_181 = arith.constant 4 : i32
          %broadcast_in_dim3A_182 = vector.broadcast %broadcast_in_dim3A_181 : i32 to vector<16xi32>
          %lt3A_183 = arith.constant 0 : i32
          %lt3A_184 = vector.broadcast %lt3A_183 : i32 to vector<16xi32>
          %lt3A_185 = arith.cmpi slt, %broadcast_in_dim3A_182, %lt3A_184 : vector<16xi32>
          %add3A_186 = arith.constant 16 : i32
          %add3A_187 = vector.broadcast %add3A_186 : i32 to vector<16xi32>
          %add3A_188 = arith.addi %broadcast_in_dim3A_182, %add3A_187 : vector<16xi32>
          %select_n3A_189 = arith.select %lt3A_185, %add3A_188, %broadcast_in_dim3A_182 : vector<16xi1>, vector<16xi32>
          %broadcast_in_dim3A_190 = vector.shape_cast %select_n3A_189 : vector<16xi32> to vector<16x1xi32>
          %gather3A_191 = vector.shape_cast %broadcast_in_dim3A_190 : vector<16x1xi32> to vector<16xi32>
          %gather3A_192 = tpu.dynamic_gather %mul3A_90[%gather3A_191] in [0] : vector<16xi32>, vector<16xi32> -> vector<16xi32>
          %add3A_193 = arith.addi %gather3A_192, %iota3A : vector<16xi32>
          tpu.vector_store_idx %arg11[%add3A_193], %get3A_180 {add = true} : memref<1024xf32, #tpu.memory_space<vmem>>[vector<16xi32>], vector<16xf32>,
          %mul3A_194 = arith.constant 16 : i32
          %mul3A_195 = arith.muli %scan3A_73, %mul3A_194 : i32
          %add3A_196 = arith.constant 5 : i32
          %add3A_197 = arith.addi %mul3A_195, %add3A_196 : i32
          %mul3A_198 = arith.constant 16 : i32
          %mul3A_199 = arith.muli %add3A_197, %mul3A_198 : i32
          %get3A_200 = arith.index_cast %mul3A_199 : i32 to index
          %get3A_201 = tpu.vector_load %arg10[%get3A_200] {strides = array<i32>} : memref<16384xf32, #tpu.memory_space<vmem>>, vector<16xf32>,
          %broadcast_in_dim3A_202 = arith.constant 5 : i32
          %broadcast_in_dim3A_203 = vector.broadcast %broadcast_in_dim3A_202 : i32 to vector<16xi32>
          %lt3A_204 = arith.constant 0 : i32
          %lt3A_205 = vector.broadcast %lt3A_204 : i32 to vector<16xi32>
          %lt3A_206 = arith.cmpi slt, %broadcast_in_dim3A_203, %lt3A_205 : vector<16xi32>
          %add3A_207 = arith.constant 16 : i32
          %add3A_208 = vector.broadcast %add3A_207 : i32 to vector<16xi32>
          %add3A_209 = arith.addi %broadcast_in_dim3A_203, %add3A_208 : vector<16xi32>
          %select_n3A_210 = arith.select %lt3A_206, %add3A_209, %broadcast_in_dim3A_203 : vector<16xi1>, vector<16xi32>
          %broadcast_in_dim3A_211 = vector.shape_cast %select_n3A_210 : vector<16xi32> to vector<16x1xi32>
          %gather3A_212 = vector.shape_cast %broadcast_in_dim3A_211 : vector<16x1xi32> to vector<16xi32>
          %gather3A_213 = tpu.dynamic_gather %mul3A_90[%gather3A_212] in [0] : vector<16xi32>, vector<16xi32> -> vector<16xi32>
          %add3A_214 = arith.addi %gather3A_213, %iota3A : vector<16xi32>
          tpu.vector_store_idx %arg11[%add3A_214], %get3A_201 {add = true} : memref<1024xf32, #tpu.memory_space<vmem>>[vector<16xi32>], vector<16xf32>,
          %mul3A_215 = arith.constant 16 : i32
          %mul3A_216 = arith.muli %scan3A_73, %mul3A_215 : i32
          %add3A_217 = arith.constant 6 : i32
          %add3A_218 = arith.addi %mul3A_216, %add3A_217 : i32
          %mul3A_219 = arith.constant 16 : i32
          %mul3A_220 = arith.muli %add3A_218, %mul3A_219 : i32
          %get3A_221 = arith.index_cast %mul3A_220 : i32 to index
          %get3A_222 = tpu.vector_load %arg10[%get3A_221] {strides = array<i32>} : memref<16384xf32, #tpu.memory_space<vmem>>, vector<16xf32>,
          %broadcast_in_dim3A_223 = arith.constant 6 : i32
          %broadcast_in_dim3A_224 = vector.broadcast %broadcast_in_dim3A_223 : i32 to vector<16xi32>
          %lt3A_225 = arith.constant 0 : i32
          %lt3A_226 = vector.broadcast %lt3A_225 : i32 to vector<16xi32>
          %lt3A_227 = arith.cmpi slt, %broadcast_in_dim3A_224, %lt3A_226 : vector<16xi32>
          %add3A_228 = arith.constant 16 : i32
          %add3A_229 = vector.broadcast %add3A_228 : i32 to vector<16xi32>
          %add3A_230 = arith.addi %broadcast_in_dim3A_224, %add3A_229 : vector<16xi32>
          %select_n3A_231 = arith.select %lt3A_227, %add3A_230, %broadcast_in_dim3A_224 : vector<16xi1>, vector<16xi32>
          %broadcast_in_dim3A_232 = vector.shape_cast %select_n3A_231 : vector<16xi32> to vector<16x1xi32>
          %gather3A_233 = vector.shape_cast %broadcast_in_dim3A_232 : vector<16x1xi32> to vector<16xi32>
          %gather3A_234 = tpu.dynamic_gather %mul3A_90[%gather3A_233] in [0] : vector<16xi32>, vector<16xi32> -> vector<16xi32>
          %add3A_235 = arith.addi %gather3A_234, %iota3A : vector<16xi32>
          tpu.vector_store_idx %arg11[%add3A_235], %get3A_222 {add = true} : memref<1024xf32, #tpu.memory_space<vmem>>[vector<16xi32>], vector<16xf32>,
          %mul3A_236 = arith.constant 16 : i32
          %mul3A_237 = arith.muli %scan3A_73, %mul3A_236 : i32
          %add3A_238 = arith.constant 7 : i32
          %add3A_239 = arith.addi %mul3A_237, %add3A_238 : i32
          %mul3A_240 = arith.constant 16 : i32
          %mul3A_241 = arith.muli %add3A_239, %mul3A_240 : i32
          %get3A_242 = arith.index_cast %mul3A_241 : i32 to index
          %get3A_243 = tpu.vector_load %arg10[%get3A_242] {strides = array<i32>} : memref<16384xf32, #tpu.memory_space<vmem>>, vector<16xf32>,
          %broadcast_in_dim3A_244 = arith.constant 7 : i32
          %broadcast_in_dim3A_245 = vector.broadcast %broadcast_in_dim3A_244 : i32 to vector<16xi32>
          %lt3A_246 = arith.constant 0 : i32
          %lt3A_247 = vector.broadcast %lt3A_246 : i32 to vector<16xi32>
          %lt3A_248 = arith.cmpi slt, %broadcast_in_dim3A_245, %lt3A_247 : vector<16xi32>
          %add3A_249 = arith.constant 16 : i32
          %add3A_250 = vector.broadcast %add3A_249 : i32 to vector<16xi32>
          %add3A_251 = arith.addi %broadcast_in_dim3A_245, %add3A_250 : vector<16xi32>
          %select_n3A_252 = arith.select %lt3A_248, %add3A_251, %broadcast_in_dim3A_245 : vector<16xi1>, vector<16xi32>
          %broadcast_in_dim3A_253 = vector.shape_cast %select_n3A_252 : vector<16xi32> to vector<16x1xi32>
          %gather3A_254 = vector.shape_cast %broadcast_in_dim3A_253 : vector<16x1xi32> to vector<16xi32>
          %gather3A_255 = tpu.dynamic_gather %mul3A_90[%gather3A_254] in [0] : vector<16xi32>, vector<16xi32> -> vector<16xi32>
          %add3A_256 = arith.addi %gather3A_255, %iota3A : vector<16xi32>
          tpu.vector_store_idx %arg11[%add3A_256], %get3A_243 {add = true} : memref<1024xf32, #tpu.memory_space<vmem>>[vector<16xi32>], vector<16xf32>,
          %mul3A_257 = arith.constant 16 : i32
          %mul3A_258 = arith.muli %scan3A_73, %mul3A_257 : i32
          %add3A_259 = arith.constant 8 : i32
          %add3A_260 = arith.addi %mul3A_258, %add3A_259 : i32
          %mul3A_261 = arith.constant 16 : i32
          %mul3A_262 = arith.muli %add3A_260, %mul3A_261 : i32
          %get3A_263 = arith.index_cast %mul3A_262 : i32 to index
          %get3A_264 = tpu.vector_load %arg10[%get3A_263] {strides = array<i32>} : memref<16384xf32, #tpu.memory_space<vmem>>, vector<16xf32>,
          %broadcast_in_dim3A_265 = arith.constant 8 : i32
          %broadcast_in_dim3A_266 = vector.broadcast %broadcast_in_dim3A_265 : i32 to vector<16xi32>
          %lt3A_267 = arith.constant 0 : i32
          %lt3A_268 = vector.broadcast %lt3A_267 : i32 to vector<16xi32>
          %lt3A_269 = arith.cmpi slt, %broadcast_in_dim3A_266, %lt3A_268 : vector<16xi32>
          %add3A_270 = arith.constant 16 : i32
          %add3A_271 = vector.broadcast %add3A_270 : i32 to vector<16xi32>
          %add3A_272 = arith.addi %broadcast_in_dim3A_266, %add3A_271 : vector<16xi32>
          %select_n3A_273 = arith.select %lt3A_269, %add3A_272, %broadcast_in_dim3A_266 : vector<16xi1>, vector<16xi32>
          %broadcast_in_dim3A_274 = vector.shape_cast %select_n3A_273 : vector<16xi32> to vector<16x1xi32>
          %gather3A_275 = vector.shape_cast %broadcast_in_dim3A_274 : vector<16x1xi32> to vector<16xi32>
          %gather3A_276 = tpu.dynamic_gather %mul3A_90[%gather3A_275] in [0] : vector<16xi32>, vector<16xi32> -> vector<16xi32>
          %add3A_277 = arith.addi %gather3A_276, %iota3A : vector<16xi32>
          tpu.vector_store_idx %arg11[%add3A_277], %get3A_264 {add = true} : memref<1024xf32, #tpu.memory_space<vmem>>[vector<16xi32>], vector<16xf32>,
          %mul3A_278 = arith.constant 16 : i32
          %mul3A_279 = arith.muli %scan3A_73, %mul3A_278 : i32
          %add3A_280 = arith.constant 9 : i32
          %add3A_281 = arith.addi %mul3A_279, %add3A_280 : i32
          %mul3A_282 = arith.constant 16 : i32
          %mul3A_283 = arith.muli %add3A_281, %mul3A_282 : i32
          %get3A_284 = arith.index_cast %mul3A_283 : i32 to index
          %get3A_285 = tpu.vector_load %arg10[%get3A_284] {strides = array<i32>} : memref<16384xf32, #tpu.memory_space<vmem>>, vector<16xf32>,
          %broadcast_in_dim3A_286 = arith.constant 9 : i32
          %broadcast_in_dim3A_287 = vector.broadcast %broadcast_in_dim3A_286 : i32 to vector<16xi32>
          %lt3A_288 = arith.constant 0 : i32
          %lt3A_289 = vector.broadcast %lt3A_288 : i32 to vector<16xi32>
          %lt3A_290 = arith.cmpi slt, %broadcast_in_dim3A_287, %lt3A_289 : vector<16xi32>
          %add3A_291 = arith.constant 16 : i32
          %add3A_292 = vector.broadcast %add3A_291 : i32 to vector<16xi32>
          %add3A_293 = arith.addi %broadcast_in_dim3A_287, %add3A_292 : vector<16xi32>
          %select_n3A_294 = arith.select %lt3A_290, %add3A_293, %broadcast_in_dim3A_287 : vector<16xi1>, vector<16xi32>
          %broadcast_in_dim3A_295 = vector.shape_cast %select_n3A_294 : vector<16xi32> to vector<16x1xi32>
          %gather3A_296 = vector.shape_cast %broadcast_in_dim3A_295 : vector<16x1xi32> to vector<16xi32>
          %gather3A_297 = tpu.dynamic_gather %mul3A_90[%gather3A_296] in [0] : vector<16xi32>, vector<16xi32> -> vector<16xi32>
          %add3A_298 = arith.addi %gather3A_297, %iota3A : vector<16xi32>
          tpu.vector_store_idx %arg11[%add3A_298], %get3A_285 {add = true} : memref<1024xf32, #tpu.memory_space<vmem>>[vector<16xi32>], vector<16xf32>,
          %mul3A_299 = arith.constant 16 : i32
          %mul3A_300 = arith.muli %scan3A_73, %mul3A_299 : i32
          %add3A_301 = arith.constant 10 : i32
          %add3A_302 = arith.addi %mul3A_300, %add3A_301 : i32
          %mul3A_303 = arith.constant 16 : i32
          %mul3A_304 = arith.muli %add3A_302, %mul3A_303 : i32
          %get3A_305 = arith.index_cast %mul3A_304 : i32 to index
          %get3A_306 = tpu.vector_load %arg10[%get3A_305] {strides = array<i32>} : memref<16384xf32, #tpu.memory_space<vmem>>, vector<16xf32>,
          %broadcast_in_dim3A_307 = arith.constant 10 : i32
          %broadcast_in_dim3A_308 = vector.broadcast %broadcast_in_dim3A_307 : i32 to vector<16xi32>
          %lt3A_309 = arith.constant 0 : i32
          %lt3A_310 = vector.broadcast %lt3A_309 : i32 to vector<16xi32>
          %lt3A_311 = arith.cmpi slt, %broadcast_in_dim3A_308, %lt3A_310 : vector<16xi32>
          %add3A_312 = arith.constant 16 : i32
          %add3A_313 = vector.broadcast %add3A_312 : i32 to vector<16xi32>
          %add3A_314 = arith.addi %broadcast_in_dim3A_308, %add3A_313 : vector<16xi32>
          %select_n3A_315 = arith.select %lt3A_311, %add3A_314, %broadcast_in_dim3A_308 : vector<16xi1>, vector<16xi32>
          %broadcast_in_dim3A_316 = vector.shape_cast %select_n3A_315 : vector<16xi32> to vector<16x1xi32>
          %gather3A_317 = vector.shape_cast %broadcast_in_dim3A_316 : vector<16x1xi32> to vector<16xi32>
          %gather3A_318 = tpu.dynamic_gather %mul3A_90[%gather3A_317] in [0] : vector<16xi32>, vector<16xi32> -> vector<16xi32>
          %add3A_319 = arith.addi %gather3A_318, %iota3A : vector<16xi32>
          tpu.vector_store_idx %arg11[%add3A_319], %get3A_306 {add = true} : memref<1024xf32, #tpu.memory_space<vmem>>[vector<16xi32>], vector<16xf32>,
          %mul3A_320 = arith.constant 16 : i32
          %mul3A_321 = arith.muli %scan3A_73, %mul3A_320 : i32
          %add3A_322 = arith.constant 11 : i32
          %add3A_323 = arith.addi %mul3A_321, %add3A_322 : i32
          %mul3A_324 = arith.constant 16 : i32
          %mul3A_325 = arith.muli %add3A_323, %mul3A_324 : i32
          %get3A_326 = arith.index_cast %mul3A_325 : i32 to index
          %get3A_327 = tpu.vector_load %arg10[%get3A_326] {strides = array<i32>} : memref<16384xf32, #tpu.memory_space<vmem>>, vector<16xf32>,
          %broadcast_in_dim3A_328 = arith.constant 11 : i32
          %broadcast_in_dim3A_329 = vector.broadcast %broadcast_in_dim3A_328 : i32 to vector<16xi32>
          %lt3A_330 = arith.constant 0 : i32
          %lt3A_331 = vector.broadcast %lt3A_330 : i32 to vector<16xi32>
          %lt3A_332 = arith.cmpi slt, %broadcast_in_dim3A_329, %lt3A_331 : vector<16xi32>
          %add3A_333 = arith.constant 16 : i32
          %add3A_334 = vector.broadcast %add3A_333 : i32 to vector<16xi32>
          %add3A_335 = arith.addi %broadcast_in_dim3A_329, %add3A_334 : vector<16xi32>
          %select_n3A_336 = arith.select %lt3A_332, %add3A_335, %broadcast_in_dim3A_329 : vector<16xi1>, vector<16xi32>
          %broadcast_in_dim3A_337 = vector.shape_cast %select_n3A_336 : vector<16xi32> to vector<16x1xi32>
          %gather3A_338 = vector.shape_cast %broadcast_in_dim3A_337 : vector<16x1xi32> to vector<16xi32>
          %gather3A_339 = tpu.dynamic_gather %mul3A_90[%gather3A_338] in [0] : vector<16xi32>, vector<16xi32> -> vector<16xi32>
          %add3A_340 = arith.addi %gather3A_339, %iota3A : vector<16xi32>
          tpu.vector_store_idx %arg11[%add3A_340], %get3A_327 {add = true} : memref<1024xf32, #tpu.memory_space<vmem>>[vector<16xi32>], vector<16xf32>,
          %mul3A_341 = arith.constant 16 : i32
          %mul3A_342 = arith.muli %scan3A_73, %mul3A_341 : i32
          %add3A_343 = arith.constant 12 : i32
          %add3A_344 = arith.addi %mul3A_342, %add3A_343 : i32
          %mul3A_345 = arith.constant 16 : i32
          %mul3A_346 = arith.muli %add3A_344, %mul3A_345 : i32
          %get3A_347 = arith.index_cast %mul3A_346 : i32 to index
          %get3A_348 = tpu.vector_load %arg10[%get3A_347] {strides = array<i32>} : memref<16384xf32, #tpu.memory_space<vmem>>, vector<16xf32>,
          %broadcast_in_dim3A_349 = arith.constant 12 : i32
          %broadcast_in_dim3A_350 = vector.broadcast %broadcast_in_dim3A_349 : i32 to vector<16xi32>
          %lt3A_351 = arith.constant 0 : i32
          %lt3A_352 = vector.broadcast %lt3A_351 : i32 to vector<16xi32>
          %lt3A_353 = arith.cmpi slt, %broadcast_in_dim3A_350, %lt3A_352 : vector<16xi32>
          %add3A_354 = arith.constant 16 : i32
          %add3A_355 = vector.broadcast %add3A_354 : i32 to vector<16xi32>
          %add3A_356 = arith.addi %broadcast_in_dim3A_350, %add3A_355 : vector<16xi32>
          %select_n3A_357 = arith.select %lt3A_353, %add3A_356, %broadcast_in_dim3A_350 : vector<16xi1>, vector<16xi32>
          %broadcast_in_dim3A_358 = vector.shape_cast %select_n3A_357 : vector<16xi32> to vector<16x1xi32>
          %gather3A_359 = vector.shape_cast %broadcast_in_dim3A_358 : vector<16x1xi32> to vector<16xi32>
          %gather3A_360 = tpu.dynamic_gather %mul3A_90[%gather3A_359] in [0] : vector<16xi32>, vector<16xi32> -> vector<16xi32>
          %add3A_361 = arith.addi %gather3A_360, %iota3A : vector<16xi32>
          tpu.vector_store_idx %arg11[%add3A_361], %get3A_348 {add = true} : memref<1024xf32, #tpu.memory_space<vmem>>[vector<16xi32>], vector<16xf32>,
          %mul3A_362 = arith.constant 16 : i32
          %mul3A_363 = arith.muli %scan3A_73, %mul3A_362 : i32
          %add3A_364 = arith.constant 13 : i32
          %add3A_365 = arith.addi %mul3A_363, %add3A_364 : i32
          %mul3A_366 = arith.constant 16 : i32
          %mul3A_367 = arith.muli %add3A_365, %mul3A_366 : i32
          %get3A_368 = arith.index_cast %mul3A_367 : i32 to index
          %get3A_369 = tpu.vector_load %arg10[%get3A_368] {strides = array<i32>} : memref<16384xf32, #tpu.memory_space<vmem>>, vector<16xf32>,
          %broadcast_in_dim3A_370 = arith.constant 13 : i32
          %broadcast_in_dim3A_371 = vector.broadcast %broadcast_in_dim3A_370 : i32 to vector<16xi32>
          %lt3A_372 = arith.constant 0 : i32
          %lt3A_373 = vector.broadcast %lt3A_372 : i32 to vector<16xi32>
          %lt3A_374 = arith.cmpi slt, %broadcast_in_dim3A_371, %lt3A_373 : vector<16xi32>
          %add3A_375 = arith.constant 16 : i32
          %add3A_376 = vector.broadcast %add3A_375 : i32 to vector<16xi32>
          %add3A_377 = arith.addi %broadcast_in_dim3A_371, %add3A_376 : vector<16xi32>
          %select_n3A_378 = arith.select %lt3A_374, %add3A_377, %broadcast_in_dim3A_371 : vector<16xi1>, vector<16xi32>
          %broadcast_in_dim3A_379 = vector.shape_cast %select_n3A_378 : vector<16xi32> to vector<16x1xi32>
          %gather3A_380 = vector.shape_cast %broadcast_in_dim3A_379 : vector<16x1xi32> to vector<16xi32>
          %gather3A_381 = tpu.dynamic_gather %mul3A_90[%gather3A_380] in [0] : vector<16xi32>, vector<16xi32> -> vector<16xi32>
          %add3A_382 = arith.addi %gather3A_381, %iota3A : vector<16xi32>
          tpu.vector_store_idx %arg11[%add3A_382], %get3A_369 {add = true} : memref<1024xf32, #tpu.memory_space<vmem>>[vector<16xi32>], vector<16xf32>,
          %mul3A_383 = arith.constant 16 : i32
          %mul3A_384 = arith.muli %scan3A_73, %mul3A_383 : i32
          %add3A_385 = arith.constant 14 : i32
          %add3A_386 = arith.addi %mul3A_384, %add3A_385 : i32
          %mul3A_387 = arith.constant 16 : i32
          %mul3A_388 = arith.muli %add3A_386, %mul3A_387 : i32
          %get3A_389 = arith.index_cast %mul3A_388 : i32 to index
          %get3A_390 = tpu.vector_load %arg10[%get3A_389] {strides = array<i32>} : memref<16384xf32, #tpu.memory_space<vmem>>, vector<16xf32>,
          %broadcast_in_dim3A_391 = arith.constant 14 : i32
          %broadcast_in_dim3A_392 = vector.broadcast %broadcast_in_dim3A_391 : i32 to vector<16xi32>
          %lt3A_393 = arith.constant 0 : i32
          %lt3A_394 = vector.broadcast %lt3A_393 : i32 to vector<16xi32>
          %lt3A_395 = arith.cmpi slt, %broadcast_in_dim3A_392, %lt3A_394 : vector<16xi32>
          %add3A_396 = arith.constant 16 : i32
          %add3A_397 = vector.broadcast %add3A_396 : i32 to vector<16xi32>
          %add3A_398 = arith.addi %broadcast_in_dim3A_392, %add3A_397 : vector<16xi32>
          %select_n3A_399 = arith.select %lt3A_395, %add3A_398, %broadcast_in_dim3A_392 : vector<16xi1>, vector<16xi32>
          %broadcast_in_dim3A_400 = vector.shape_cast %select_n3A_399 : vector<16xi32> to vector<16x1xi32>
          %gather3A_401 = vector.shape_cast %broadcast_in_dim3A_400 : vector<16x1xi32> to vector<16xi32>
          %gather3A_402 = tpu.dynamic_gather %mul3A_90[%gather3A_401] in [0] : vector<16xi32>, vector<16xi32> -> vector<16xi32>
          %add3A_403 = arith.addi %gather3A_402, %iota3A : vector<16xi32>
          tpu.vector_store_idx %arg11[%add3A_403], %get3A_390 {add = true} : memref<1024xf32, #tpu.memory_space<vmem>>[vector<16xi32>], vector<16xf32>,
          %mul3A_404 = arith.constant 16 : i32
          %mul3A_405 = arith.muli %scan3A_73, %mul3A_404 : i32
          %add3A_406 = arith.constant 15 : i32
          %add3A_407 = arith.addi %mul3A_405, %add3A_406 : i32
          %mul3A_408 = arith.constant 16 : i32
          %mul3A_409 = arith.muli %add3A_407, %mul3A_408 : i32
          %get3A_410 = arith.index_cast %mul3A_409 : i32 to index
          %get3A_411 = tpu.vector_load %arg10[%get3A_410] {strides = array<i32>} : memref<16384xf32, #tpu.memory_space<vmem>>, vector<16xf32>,
          %broadcast_in_dim3A_412 = arith.constant 15 : i32
          %broadcast_in_dim3A_413 = vector.broadcast %broadcast_in_dim3A_412 : i32 to vector<16xi32>
          %lt3A_414 = arith.constant 0 : i32
          %lt3A_415 = vector.broadcast %lt3A_414 : i32 to vector<16xi32>
          %lt3A_416 = arith.cmpi slt, %broadcast_in_dim3A_413, %lt3A_415 : vector<16xi32>
          %add3A_417 = arith.constant 16 : i32
          %add3A_418 = vector.broadcast %add3A_417 : i32 to vector<16xi32>
          %add3A_419 = arith.addi %broadcast_in_dim3A_413, %add3A_418 : vector<16xi32>
          %select_n3A_420 = arith.select %lt3A_416, %add3A_419, %broadcast_in_dim3A_413 : vector<16xi1>, vector<16xi32>
          %broadcast_in_dim3A_421 = vector.shape_cast %select_n3A_420 : vector<16xi32> to vector<16x1xi32>
          %gather3A_422 = vector.shape_cast %broadcast_in_dim3A_421 : vector<16x1xi32> to vector<16xi32>
          %gather3A_423 = tpu.dynamic_gather %mul3A_90[%gather3A_422] in [0] : vector<16xi32>, vector<16xi32> -> vector<16xi32>
          %add3A_424 = arith.addi %gather3A_423, %iota3A : vector<16xi32>
          tpu.vector_store_idx %arg11[%add3A_424], %get3A_411 {add = true} : memref<1024xf32, #tpu.memory_space<vmem>>[vector<16xi32>], vector<16xf32>,
        }
        %scan3A_72 = arith.constant 64 : i32
      } else {
      }
    }
    %scan3A_15 = arith.constant 49 : i32
    "tpu.region"() ({
      %run_scoped3A = tpu.sem_alloc : memref<!tpu.dma_semaphore, #tpu.memory_space<semaphore_mem>>
      %dma_start3A = arith.constant 0 : i32
      %dma_start3A_16 = tpu.memref_slice %arg5[%add3A, %dma_start3A] : memref<32x1024xf32, #tpu.memory_space<hbm>> -> memref<1x1024xf32, #tpu.memory_space<hbm>>
      %dma_start3A_17 = tpu.memref_squeeze %dma_start3A_16 : memref<1x1024xf32, #tpu.memory_space<hbm>> -> memref<1024xf32, #tpu.memory_space<hbm>>
      %dma_start3A_18 = arith.constant 0 : i32
      %dma_start3A_19 = tpu.memref_slice %arg5[%add3A, %dma_start3A_18] : memref<32x1024xf32, #tpu.memory_space<hbm>> -> memref<1x1024xf32, #tpu.memory_space<hbm>>
      %dma_start3A_20 = tpu.memref_squeeze %dma_start3A_19 : memref<1x1024xf32, #tpu.memory_space<hbm>> -> memref<1024xf32, #tpu.memory_space<hbm>>
      tpu.enqueue_dma source(%arg11 : memref<1024xf32, #tpu.memory_space<vmem>>) target(%dma_start3A_20 : memref<1024xf32, #tpu.memory_space<hbm>>) target_semaphore(%run_scoped3A : memref<!tpu.dma_semaphore, #tpu.memory_space<semaphore_mem>>)
      %dma_wait3A = arith.constant 0 : i32
      %dma_wait3A_21 = tpu.memref_slice %arg5[%add3A, %dma_wait3A] : memref<32x1024xf32, #tpu.memory_space<hbm>> -> memref<1x1024xf32, #tpu.memory_space<hbm>>
      %dma_wait3A_22 = tpu.memref_squeeze %dma_wait3A_21 : memref<1x1024xf32, #tpu.memory_space<hbm>> -> memref<1024xf32, #tpu.memory_space<hbm>>
      %dma_wait3A_23 = arith.constant 0 : i32
      %dma_wait3A_24 = tpu.memref_slice %arg5[%add3A, %dma_wait3A_23] : memref<32x1024xf32, #tpu.memory_space<hbm>> -> memref<1x1024xf32, #tpu.memory_space<hbm>>
      %dma_wait3A_25 = tpu.memref_squeeze %dma_wait3A_24 : memref<1x1024xf32, #tpu.memory_space<hbm>> -> memref<1024xf32, #tpu.memory_space<hbm>>
      tpu.wait_dma2 semaphore(%run_scoped3A : memref<!tpu.dma_semaphore, #tpu.memory_space<semaphore_mem>>) src(%arg11 : memref<1024xf32, #tpu.memory_space<vmem>>) dst(%dma_wait3A_25 : memref<1024xf32, #tpu.memory_space<hbm>>)
      tpu.yield
    }) : () -> ()
    return
  }
}

module attributes {stable_mosaic.version = 14 : i64} {
  func.func @_tc_body(%arg0: i32, %arg1: memref<1x1x2000xi32, #tpu.memory_space<vmem>>, %arg2: memref<2000x128xf32, #tpu.memory_space<vmem>>, %arg3: memref<64x64xf32, #tpu.memory_space<vmem>>, %arg4: memref<208x128xf32, #tpu.memory_space<vmem>>, %arg5: memref<1x128xf32, #tpu.memory_space<vmem>>, %arg6: memref<32x64x16xf32, #tpu.memory_space<vmem>>, %arg7: memref<64x128xf32, #tpu.memory_space<vmem>>, %arg8: memref<64x128xf32, #tpu.memory_space<vmem>>) attributes {dimension_semantics = [#tpu.dimension_semantics<arbitrary>], iteration_bounds = array<i64: 51>, scalar_prefetch = 0 : i64, scratch_operands = 1 : i64, tpu.core_type = #tpu.core_type<tc>, window_params = [{transform_indices = @transform_0, window_bounds = array<i64: 1, 1, 2000>}, {transform_indices = @transform_1, window_bounds = array<i64: 2000, 128>}, {pipeline_mode = #tpu.pipeline_mode<synchronous>, transform_indices = @transform_2, window_bounds = array<i64: 64, 64>}, {pipeline_mode = #tpu.pipeline_mode<synchronous>, transform_indices = @transform_3, window_bounds = array<i64: 208, 128>}, {pipeline_mode = #tpu.pipeline_mode<synchronous>, transform_indices = @transform_4, window_bounds = array<i64: 1, 128>}, {pipeline_mode = #tpu.pipeline_mode<synchronous>, transform_indices = @transform_5, window_bounds = array<i64: 32, 64, 16>}, {pipeline_mode = #tpu.pipeline_mode<synchronous>, transform_indices = @transform_6, window_bounds = array<i64: 64, 128>}]} {
    %eq3A = arith.constant 0 : i32
    %eq3A_0 = arith.cmpi eq, %arg0, %eq3A : i32
    %convert_element_type3A = arith.extui %eq3A_0 : i1 to i32
    %cond3A = arith.constant 0 : i32
    %cond3A_1 = arith.cmpi ne, %convert_element_type3A, %cond3A : i32
    scf.if %cond3A_1 {
      %broadcast_in_dim3A = arith.constant 0.000000e+00 : f32
      %broadcast_in_dim3A_11 = vector.broadcast %broadcast_in_dim3A : f32 to vector<64x128xf32>
      %swap3A = arith.constant 0 : index
      %swap3A_12 = arith.constant 0 : index
      %swap3A_13 = vector.load %arg8[%swap3A, %swap3A_12] : memref<64x128xf32, #tpu.memory_space<vmem>>, vector<64x128xf32>
      tpu.vector_store %arg8[%swap3A, %swap3A_12], %broadcast_in_dim3A_11 {strides = array<i32>} : memref<64x128xf32, #tpu.memory_space<vmem>>, vector<64x128xf32>,
    } else {
    }
    %lt3A = arith.constant 50 : i32
    %lt3A_2 = arith.cmpi slt, %arg0, %lt3A : i32
    %convert_element_type3A_3 = arith.extui %lt3A_2 : i1 to i32
    %cond3A_4 = arith.constant 0 : i32
    %cond3A_5 = arith.cmpi ne, %convert_element_type3A_3, %cond3A_4 : i32
    scf.if %cond3A_5 {
      %get3A = arith.constant 0 : index
      %get3A_11 = arith.constant 0 : index
      %get3A_12 = arith.constant 0 : index
      %get3A_13 = vector.load %arg1[%get3A, %get3A_11, %get3A_12] : memref<1x1x2000xi32, #tpu.memory_space<vmem>>, vector<1x1x2000xi32>
      %get3A_14 = vector.shape_cast %get3A_13 : vector<1x1x2000xi32> to vector<2000xi32>
      %broadcast_in_dim3A = vector.shape_cast %get3A_14 : vector<2000xi32> to vector<1x2000xi32>
      %iota3A = tpu.iota {dimensions = array<i32: 0>} : vector<64x1xi32>
      %eq3A_15 = vector.broadcast %broadcast_in_dim3A : vector<1x2000xi32> to vector<64x2000xi32>
      %eq3A_16 = vector.broadcast %iota3A : vector<64x1xi32> to vector<64x2000xi32>
      %eq3A_17 = arith.cmpi eq, %eq3A_15, %eq3A_16 : vector<64x2000xi32>
      %convert_element_type3A_18 = arith.extui %eq3A_17 : vector<64x2000xi1> to vector<64x2000xi32>
      %convert_element_type3A_19 = arith.sitofp %convert_element_type3A_18 : vector<64x2000xi32> to vector<64x2000xf32>
      %get3A_20 = arith.constant 0 : index
      %get3A_21 = arith.constant 0 : index
      %get3A_22 = vector.load %arg8[%get3A_20, %get3A_21] : memref<64x128xf32, #tpu.memory_space<vmem>>, vector<64x128xf32>
      %get3A_23 = arith.constant 0 : index
      %get3A_24 = arith.constant 0 : index
      %get3A_25 = vector.load %arg2[%get3A_23, %get3A_24] : memref<2000x128xf32, #tpu.memory_space<vmem>>, vector<2000x128xf32>
      %dot_general3A = arith.constant dense<0.000000e+00> : vector<64x128xf32>
      %dot_general3A_26 = tpu.matmul %convert_element_type3A_19, %get3A_25, %dot_general3A {dimension_numbers = #tpu.dot_dimension_numbers<[1], [0], [0], [1], [0, 0, 1, 1], [], []>, transpose_lhs_hint = false} : vector<64x2000xf32>, vector<2000x128xf32>, vector<64x128xf32> -> vector<64x128xf32>
      %add3A = arith.addf %get3A_22, %dot_general3A_26 : vector<64x128xf32>
      %swap3A = arith.constant 0 : index
      %swap3A_27 = arith.constant 0 : index
      %swap3A_28 = vector.load %arg8[%swap3A, %swap3A_27] : memref<64x128xf32, #tpu.memory_space<vmem>>, vector<64x128xf32>
      tpu.vector_store %arg8[%swap3A, %swap3A_27], %add3A {strides = array<i32>} : memref<64x128xf32, #tpu.memory_space<vmem>>, vector<64x128xf32>,
    } else {
    }
    %eq3A_6 = arith.constant 50 : i32
    %eq3A_7 = arith.cmpi eq, %arg0, %eq3A_6 : i32
    %convert_element_type3A_8 = arith.extui %eq3A_7 : i1 to i32
    %cond3A_9 = arith.constant 0 : i32
    %cond3A_10 = arith.cmpi ne, %convert_element_type3A_8, %cond3A_9 : i32
    scf.if %cond3A_10 {
      %get3A = arith.constant 0 : index
      %get3A_11 = arith.constant 0 : index
      %get3A_12 = arith.constant 0 : index
      %get3A_13 = vector.load %arg6[%get3A, %get3A_11, %get3A_12] : memref<32x64x16xf32, #tpu.memory_space<vmem>>, vector<32x64x16xf32>
      %reduce_sum3A = arith.constant dense<0.000000e+00> : vector<64x16xf32>
      %reduce_sum3A_14 = vector.multi_reduction <add>, %get3A_13, %reduce_sum3A [0] : vector<32x64x16xf32> to vector<64x16xf32>
      %get3A_15 = arith.constant 0 : index
      %get3A_16 = arith.constant 0 : index
      %get3A_17 = vector.load %arg8[%get3A_15, %get3A_16] : memref<64x128xf32, #tpu.memory_space<vmem>>, vector<64x128xf32>
      %get3A_18 = arith.constant 0 : index
      %get3A_19 = arith.constant 0 : index
      %get3A_20 = vector.load %arg3[%get3A_18, %get3A_19] : memref<64x64xf32, #tpu.memory_space<vmem>>, vector<64x64xf32>
      %concatenate3A = tpu.concatenate %get3A_17, %reduce_sum3A_14, %get3A_20 in 1 : vector<64x128xf32>, vector<64x16xf32>, vector<64x64xf32> -> vector<64x208xf32>
      %get3A_21 = arith.constant 0 : index
      %get3A_22 = arith.constant 0 : index
      %get3A_23 = vector.load %arg4[%get3A_21, %get3A_22] : memref<208x128xf32, #tpu.memory_space<vmem>>, vector<208x128xf32>
      %dot_general3A = arith.constant dense<0.000000e+00> : vector<64x128xf32>
      %dot_general3A_24 = tpu.matmul %concatenate3A, %get3A_23, %dot_general3A {dimension_numbers = #tpu.dot_dimension_numbers<[1], [0], [0], [1], [0, 0, 1, 1], [], []>, transpose_lhs_hint = false} : vector<64x208xf32>, vector<208x128xf32>, vector<64x128xf32> -> vector<64x128xf32>
      %get3A_25 = arith.constant 0 : index
      %get3A_26 = arith.constant 0 : index
      %get3A_27 = vector.load %arg5[%get3A_25, %get3A_26] : memref<1x128xf32, #tpu.memory_space<vmem>>, vector<1x128xf32>
      %add3A = vector.broadcast %get3A_27 : vector<1x128xf32> to vector<64x128xf32>
      %add3A_28 = arith.addf %dot_general3A_24, %add3A : vector<64x128xf32>
      %max3A = arith.constant 0.000000e+00 : f32
      %max3A_29 = vector.broadcast %max3A : f32 to vector<64x128xf32>
      %max3A_30 = arith.maximumf %add3A_28, %max3A_29 : vector<64x128xf32>
      %swap3A = arith.constant 0 : index
      %swap3A_31 = arith.constant 0 : index
      %swap3A_32 = vector.load %arg7[%swap3A, %swap3A_31] : memref<64x128xf32, #tpu.memory_space<vmem>>, vector<64x128xf32>
      tpu.vector_store %arg7[%swap3A, %swap3A_31], %max3A_30 {strides = array<i32>} : memref<64x128xf32, #tpu.memory_space<vmem>>, vector<64x128xf32>,
    } else {
    }
    return
  }
  func.func @transform_0(%arg0: i32) -> (i32, i32, i32) {
    %min3A = arith.constant 49 : i32
    %min3A_0 = arith.minsi %arg0, %min3A : i32
    %c0_i32 = arith.constant 0 : i32
    %c0_i32_1 = arith.constant 0 : i32
    %c0_i32_2 = arith.constant 0 : i32
    return %min3A_0, %c0_i32, %c0_i32_1 : i32, i32, i32
  }
  func.func @transform_1(%arg0: i32) -> (i32, i32) {
    %min3A = arith.constant 49 : i32
    %min3A_0 = arith.minsi %arg0, %min3A : i32
    %c0_i32 = arith.constant 0 : i32
    %c0_i32_1 = arith.constant 0 : i32
    return %min3A_0, %c0_i32 : i32, i32
  }
  func.func @transform_2(%arg0: i32) -> (i32, i32) {
    %c0_i32 = arith.constant 0 : i32
    %c0_i32_0 = arith.constant 0 : i32
    %c0_i32_1 = arith.constant 0 : i32
    return %c0_i32, %c0_i32_0 : i32, i32
  }
  func.func @transform_3(%arg0: i32) -> (i32, i32) {
    %c0_i32 = arith.constant 0 : i32
    %c0_i32_0 = arith.constant 0 : i32
    %c0_i32_1 = arith.constant 0 : i32
    return %c0_i32, %c0_i32_0 : i32, i32
  }
  func.func @transform_4(%arg0: i32) -> (i32, i32) {
    %c0_i32 = arith.constant 0 : i32
    %c0_i32_0 = arith.constant 0 : i32
    %c0_i32_1 = arith.constant 0 : i32
    return %c0_i32, %c0_i32_0 : i32, i32
  }
  func.func @transform_5(%arg0: i32) -> (i32, i32, i32) {
    %c0_i32 = arith.constant 0 : i32
    %c0_i32_0 = arith.constant 0 : i32
    %c0_i32_1 = arith.constant 0 : i32
    %c0_i32_2 = arith.constant 0 : i32
    return %c0_i32, %c0_i32_0, %c0_i32_1 : i32, i32, i32
  }
  func.func @transform_6(%arg0: i32) -> (i32, i32) {
    %c0_i32 = arith.constant 0 : i32
    %c0_i32_0 = arith.constant 0 : i32
    %c0_i32_1 = arith.constant 0 : i32
    return %c0_i32, %c0_i32_0 : i32, i32
  }
}

</mosaic_0001>

<sc_bundles>
// kernel: kernel.4.cloned.1.call-start
scs
__scs_entry_jumppad:
0x0: {  	(pc) =	sbr.rel $0x88, $3  }
0x1: {  	(tag) =	ssettag $0x0;
	lr =	simm.s32 $0x1  }
0x2: {  	[smem:$0x3F9A] =	sst lr;
	_ =	strace $0xD0000000  }
0x3: {  	_ = 	snop  }
0x4: {  	_ = 	snop  }
0x5: {  	_ = 	snop  }
0x6: {  	_ = 	snop  }
0x7: {  	_ = 	snop  }
__scs_overlays_trampoline_lowered:
0x8: {  	[smem:$0x3FA9] =	sst s0  }
0x9: {  	[smem:$0x3FAA] =	sst s1  }
0xa: {  	[smem:$0x3FAB] =	sst s2  }
0xb: {  	[smem:$0x3FAC] =	sst s3  }
0xc: {  	[smem:$0x3FAD] =	sst s4  }
0xd: {  	[smem:$0x3FAE] =	sst s5  }
0xe: {  	[smem:$0x3FAF] =	sst s6  }
0xf: {  	[smem:$0x3FB0] =	sst s7  }
0x10: {  	[smem:$0x3FB1] =	sst s8  }
0x11: {  	[smem:$0x3FB2] =	sst s9;
	s0 =	simm.s32 @!p0 $0x0  }
0x12: {  	s1 =	sld [smem:$0x3F98];
	s0 =	simm.s32 @p0 $0x1  }
0x13: {  	[smem:$0x3FB3] =	sst s0;
	s0 =	simm.s32 @!p1 $0x0  }
0x14: {  	s2 =	sld [smem:$0x3F97];
	s0 =	simm.s32 @p1 $0x1  }
0x15: {  	[smem:$0x3FB4] =	sst s0;
	s0 =	simm.s32 @!p2 $0x0  }
0x16: {  	s3 =	sld [smem:$0x3FDB];
	s0 =	simm.s32 @p2 $0x1  }
0x17: {  	s4 =	simm.s32 $0x1BF5;
	[smem:$0x3FB6] =	sst s0  }
0x18: {  	s0 =	sld [smem:$0x3F99];
	_ =	swait.ge [sflag:s4], $0x0  }
0x19: {  	s7 =	sld [smem:$0x3F9A]  }
0x1a: {  	s8 =	sadd.s32 $0xFFFFE003, lr  }
0x1b: {  	s9 =	sadd.s32 $0xFFFFFEF7, lr;
	s5 =	simm.s32 $0xFFFFFFFF;
	p2 =	slt.u32 s8, $0xFFFFF086  }
0x1c: {  	p1 =	slt.u32 s9, $0xF7A;
	s5 =	simm.s32 @!p2 $0x0  }
0x1d: {  	s5 =	simm.s32 @p1 $0x1;
	p0 =	seq.s32 s7, s2  }
0x1e: {  	s7 =	smul.u32 @!p0 $0xF7A, s2;
	p2 =	seq.s32 @!p0 s5, $0x0  }
0x1f: {  	s9 =	smul.u32 $0xF7A, s1;
	s8 =	simm.s32 @!p0 $0x1BF5;
	p2 =	por !p2, p0  }
0x20: {  	[sflag:s8] =	ssyncset.s32 @!p0 $0xFFFFF086;
	s6 =	sadd.s32 @!p0 s3, s7;
	s7 =	simm.s32 @!p0 $0x108  }
0x21: {  	s3 =	sadd.s32 s3, s9;
	s6 =	sadd.s32 @!p0 $0x88, s6;
	s7 =	simm.s32 @p2 $0x1082  }
0x22: {  	[simem:s7], [sflag:s8] =	dma.local @!p0 [hbm:s6], $0xF7A  }
0x23: {  	s9 =	sor.u32 $0xD0000000, s2;
	s6 =	simm.s32 $0x108;
	_ =	swait.ge @!p0 [sflag:s8], $0x0  }
0x24: {  	s3 =	sadd.s32 $0x88, s3;
	s6 =	simm.s32 @!p1 $0x1082;
	[sflag:s4] =	ssyncset.s32 $0xFFFFF086  }
0x25: {  	[simem:s6], [sflag:s4] =	dma.local [hbm:s3], $0xF7A  }
0x26: {  	[smem:$0x3F9A] =	sst s1;
	(tag) =	ssettag s2;
	_ =	strace s9  }
0x27: {  	s1 =	sld [smem:$0x3FAA]  }
0x28: {  	s2 =	sld [smem:$0x3FAB]  }
0x29: {  	s4 =	sld [smem:$0x3FAD]  }
0x2a: {  	p0 =	seq.s32 s5, $0x0;
	s5 =	sld [smem:$0x3FAE]  }
0x2b: {  	s6 =	sld [smem:$0x3FAF]  }
0x2c: {  	s7 =	sld [smem:$0x3FB0]  }
0x2d: {  	s3 =	simm.s32 $0x108;
	s8 =	sld [smem:$0x3FB1]  }
0x2e: {  	s3 =	simm.s32 @!p0 $0x1082;
	s9 =	sld [smem:$0x3FB2]  }
0x2f: {  	lr =	sadd.s32 s0, s3;
	s0 =	sld [smem:$0x3FA9]  }
0x30: {  	s3 =	sld [smem:$0x3FAC]  }
0x31: {  	[smem:$0x3FB5] =	sst s10  }
0x32: {  	s10 =	sld [smem:$0x3FB3];
	_ =	sdelay $0x3  }
0x33: {  	p0 =	seq.s32 s10, $0x1;
	s10 =	sld [smem:$0x3FB5];
	_ =	sdelay $0x3  }
0x34: {  	[smem:$0x3FB5] =	sst s10  }
0x35: {  	s10 =	sld [smem:$0x3FB4];
	_ =	sdelay $0x3  }
0x36: {  	p1 =	seq.s32 s10, $0x1;
	s10 =	sld [smem:$0x3FB5];
	_ =	sdelay $0x3  }
0x37: {  	[smem:$0x3FB5] =	sst s10  }
0x38: {  	s10 =	sld [smem:$0x3FB6]  }
0x39: {  	_ = 	snop;
	(pc) =	sbr.ind lr, $3  }
0x3a: {  	_ = 	snop  }
0x3b: {  	_ = 	snop  }
0x3c: {  	p2 =	seq.s32 s10, $0x1;
	s10 =	sld [smem:$0x3FB5]  }
0x3d: {  	_ =	shalt  }
0x3e: {  	_ =	shalt  }
0x3f: {  	_ =	shalt  }
0x40: {  	_ =	shalt  }
0x41: {  	_ =	shalt  }
0x42: {  	_ =	shalt  }
0x43: {  	_ =	shalt  }
0x44: {  	_ =	shalt  }
0x45: {  	_ =	shalt  }
0x46: {  	_ =	shalt  }
0x47: {  	_ =	shalt  }
0x48: {  	_ =	shalt  }
0x49: {  	_ =	shalt  }
0x4a: {  	_ =	shalt  }
0x4b: {  	_ =	shalt  }
0x4c: {  	_ =	shalt  }
0x4d: {  	_ =	shalt  }
0x4e: {  	_ =	shalt  }
0x4f: {  	_ =	shalt  }
0x50: {  	_ =	shalt  }
0x51: {  	_ =	shalt  }
0x52: {  	_ =	shalt  }
0x53: {  	_ =	shalt  }
0x54: {  	_ =	shalt  }
0x55: {  	_ =	shalt  }
0x56: {  	_ =	shalt  }
0x57: {  	_ =	shalt  }
0x58: {  	_ =	shalt  }
0x59: {  	_ =	shalt  }
0x5a: {  	_ =	shalt  }
0x5b: {  	_ =	shalt  }
0x5c: {  	_ =	shalt  }
0x5d: {  	_ =	shalt  }
0x5e: {  	_ =	shalt  }
0x5f: {  	_ =	shalt  }
0x60: {  	_ =	shalt  }
0x61: {  	_ =	shalt  }
0x62: {  	_ =	shalt  }
0x63: {  	_ =	shalt  }
0x64: {  	_ =	shalt  }
0x65: {  	_ =	shalt  }
0x66: {  	_ =	shalt  }
0x67: {  	_ =	shalt  }
0x68: {  	_ =	shalt  }
0x69: {  	_ =	shalt  }
0x6a: {  	_ =	shalt  }
0x6b: {  	_ =	shalt  }
0x6c: {  	_ =	shalt  }
0x6d: {  	_ =	shalt  }
0x6e: {  	_ =	shalt  }
0x6f: {  	_ =	shalt  }
0x70: {  	_ =	shalt  }
0x71: {  	_ =	shalt  }
0x72: {  	_ =	shalt  }
0x73: {  	_ =	shalt  }
0x74: {  	_ =	shalt  }
0x75: {  	_ =	shalt  }
0x76: {  	_ =	shalt  }
0x77: {  	_ =	shalt  }
0x78: {  	_ =	shalt  }
0x79: {  	_ =	shalt  }
0x7a: {  	_ =	shalt  }
0x7b: {  	_ =	shalt  }
0x7c: {  	_ =	shalt  }
0x7d: {  	_ =	shalt  }
0x7e: {  	_ =	shalt  }
0x7f: {  	_ =	shalt  }
0x80: {  	_ =	shalt  }
0x81: {  	_ =	shalt  }
0x82: {  	_ =	shalt  }
0x83: {  	_ =	shalt  }
0x84: {  	_ =	shalt  }
0x85: {  	_ =	shalt  }
0x86: {  	_ =	shalt  }
0x87: {  	_ =	shalt  }
.Lfunc_end0:
.L_simem_size_0:
called_computation_lowered:
.L_overlay_start_0:
0x88: {  	s2 =	sld [smem:$0x3FD9]  }
0x89: {  	s3 =	sld [smem:$0x3FFE];
	_ =	sdelay $0x1  }
0x8a: {  	s1 =	srdreg.scid  }
0x8b: {  	s0 =	sand.u32 $0x1, s1  }
0x8c: {  	s17 =	sshll.u32 s0, $0xA;
	s2 =	sadd.s32 s3, s2  }
0x8d: {  	s2 =	sadd.s32 s2, s17  }
0x8e: {  	[smem:$0x3FC1] =	sst s2  }
0x8f: {  	_ = 	snop  }
0x90: {  	s2 =	sld [smem:$0x3FC8];
	(tm) =	ssettm $0x1  }
0x91: {  	s18 =	sld [smem:$0x3FFB];
	_ =	sdelay $0x3  }
0x92: {  	_ =	strace s18  }
0x93: {  	s3 =	sld [smem:$0x3FFC];
	_ =	sdelay $0x3  }
0x94: {  	_ =	strace s3  }
0x95: {  	s3 =	sld [smem:$0x3FFD];
	_ =	sdelay $0x3  }
0x96: {  	_ =	strace s3  }
0x97: {  	_ =	strace $0x8FFFFFFF  }
0x98: {  	s19 =	sld [smem:$0x3FDB];
	_ =	sdelay $0x1  }
0x99: {  	s4 =	simm.s32 $_scs_section_size  }
0x9a: {  	s5 =	simm.s32 $_size__tile_overlayer_lowered;
	s6 =	simm.s32 $_tile_overlayer_lowered  }
0x9b: {  	s22 =	simm.s32 $0x1BFF;
	s21 =	sshll.u32 s6, $0x1;
	s3 =	sadd.s32 s4, s19  }
0x9c: {  	s7 =	simm.s32 $0x0;
	s20 =	sshll.u32 s5, $0x1;
	s5 =	sadd.s32 s21, s3  }
0x9d: {  	[timem:s7], [sflag:s22] =	dma.local [hbm:s5], s20  }
0x9e: {  	_ =	swait.ge [sflag:s22], s20  }
0x9f: {  	s4 =	ssub.s32 $0x0, s20;
	[sflag:s22] =	ssyncset.done $0x0  }
0xa0: {  	[sflag:s22] =	ssyncadd.s32 s4;
	_ =	sdelay $0x1  }
0xa1: {  	s23 =	simm.s32 $0x1B8B  }
0xa2: {  	_ =	swait.ge [sflag:s23], $0x1  }
0xa3: {  	[sflag:s23] =	ssyncset.done $0x0  }
0xa4: {  	s25 =	simm.s32 $0x1B8E;
	s24 =	sld [smem:$0x3FFE];
	[sflag:s23] =	ssyncadd.s32 $0xFFFFFFFF  }
0xa5: {  	s26 =	simm.s32 $execute0_lowered;
	[smem:$0x3FD2] =	sst s25  }
0xa6: {  	s5 =	sshll.u32 s26, $0x1;
	_ =	strace $0x80000046;
	[dreg:$0x1] =	wrdreg $0xFFFFFFFF  }
0xa7: {  	s28 =	simm.s32 $_size_execute0_lowered;
	s3 =	sadd.s32 s3, s5;
	[dreg:$0x0] =	wrdreg $0x0  }
0xa8: {  	s5 =	sshll.u32 s28, $0x1;
	[dreg:$0x2] =	wrdreg s3  }
0xa9: {  	[dreg:$0x3] =	wrdreg s5  }
0xaa: {  	[dreg:$0x4] =	wrdreg $0xC0  }
0xab: {  	_ =	task [dreg:s7], $0x5FFFF  }
0xac: {  	[dreg:$0x1] =	wrdreg $0xFFFFFFFF  }
0xad: {  	[dreg:$0x0] =	wrdreg $0x60  }
0xae: {  	[dreg:$0x2] =	wrdreg s2  }
0xaf: {  	[dreg:$0x3] =	wrdreg s24  }
0xb0: {  	[dreg:$0x4] =	wrdreg $0x9  }
0xb1: {  	_ =	task.clear_ibuf [dreg:s7], $0x5FFFF;
	_ =	strace $0x90000046  }
0xb2: {  	s29 =	simm.s32 $0x9;
	_ =	strace $0x80000048  }
0xb3: {  	_ =	swait.ge [sflag:s29], $0x1  }
0xb4: {  	[sflag:s29] =	ssyncadd.s32 $0xFFFFFFFF  }
0xb5: {  	_ =	strace $0x90000048  }
0xb6: {  	_ =	sfence  }
0xb7: {  	s30 =	sld [smem:$0x0];
	_ =	sdelay $0x2  }
0xb8: {  	s31 =	sshll.u32 s1, $0xD;
	s1 =	sshrl.u32 s1, $0x2  }
0xb9: {  	s3 =	sand.u32 $0x4000, s31;
	s1 =	sadd.s32 s1, s30  }
0xba: {  	s0 =	sor.u32 s3, s0;
	s1 =	sshll.u32 s1, $0x11  }
0xbb: {  	s0 =	sor.u32 s1, s0  }
0xbc: {  	s0 =	sadd.s32 $0x8F2B, s0  }
0xbd: {  	[sflag:s0] =	ssyncadd.remote.s32 $0x1  }
0xbe: {  	_ =	sfence.sel $0xFFFF  }
0xbf: {  	[dreg:$0x0] =	wrdreg $0xFFFFFFFF;
	(pc) =	sbr.abs _section_cstart, $3  }
0xc0: {  	[dreg:$0x1] =	wrdreg $0xFFFFFFFF  }
0xc1: {  	_ =	task.clear_ibuf [dreg:s7], $0x2FFFF;
	_ =	strace $0x9FFFFFFF  }
0xc2: {  	(tm) =	ssettm $0x7FFFFFFF  }
0xc3: {  	_ =	shalt  }
tec
execute0_lowered:
.L_overlay_start_1:
0x0: {  	(tag) =	ssettag $0x1  }
0x1: {  	s1 =	rddreg [dreg:$0x0]  }
0x2: {  	s6 =	rddreg [dreg:$0x1]  }
0x3: {  	s0 =	rddreg [dreg:$0x2];
	s3 =	simm.s32 $0x0  }
0x4: {  	s2 =	stileid.u32;
	s7 =	srdreg.scid;
	s13 =	simm.s32 $0x80  }
0x5: {  	s14 =	simm.s32 $0x100;
	s15 =	simm.s32 $0x6200;
	s16 =	simm.s32 $0x6A00  }
0x6: {  	s17 =	simm.s32 $0x1;
	s18 =	simm.s32 $0x3;
	s19 =	simm.s32 $0xEA00  }
0x7: {  	s20 =	simm.s32 $0x2;
	s21 =	simm.s32 $0x4;
	s22 =	simm.s32 $0x400  }
0x8: {  	s23 =	simm.s32 $0x0;
	[smem:$0x7FF] =	sst s3;
	s4 =	sadd.s32 $0x30D4A00, s6  }
0x9: {  	s5 =	sadd.s32 $0xA00, s6;
	s8 =	sshll.u32 s2, $0x8;
	s7 =	sand.u32 $0x1, s7  }
0xa: {  	s10 =	sshll.u32 s2, $0x1;
	_ =	strace $0x80000047;
	s8 =	sand.u32 $0xC00, s8  }
0xb: {  	v0 =	vimm.f32 $0.0e+00;
	v1 =	vimm.s32 $0x2;
	v2 =	vimm.s32 $0x3;
	s9 =	ssub.s32 $0x2, s7;
	s12 =	sor.u32 s7, s10;
	s11 =	sadd.s32 s8, s6  }
.Ltmp0:
0xc: {  	v3 =	vimm.s32 $0x4;
	v4 =	vimm.s32 $0x0;
	v5 =	vlaneseq.u32;
	s26 =	sshrl.u32 s9, $0x1;
	s29 =	sshll.u32 s12, $0x8;
	(pc) =	sbr.rel .LBB2_1-.Ltmp0, $4  }
0xd: {  	v6 =	vimm.s32 $0x1;
	v7 =	vimm.s32 $0x5;
	v8 =	vimm.s32 $0x6;
	s7 =	sshll.u32 s12, $0x4;
	s30 =	sshll.u32 s12, $0xB;
	s8 =	sor.u32 $0x40, s12  }
0xe: {  	v9 =	vimm.s32 $0x7;
	v10 =	vimm.s32 $0x8;
	v11 =	vimm.s32 $0x9;
	s28 =	ssub.s32 s9, s26;
	s6 =	sadd.s32 s1, s29;
	s31 =	sand.u32 $0x70, s7  }
0xf: {  	v12 =	vimm.s32 $0xA;
	v13 =	vimm.s32 $0xB;
	v14 =	vimm.s32 $0xC;
	s7 =	sadd.s32 s4, s30;
	s9 =	sadd.s32 s31, s11;
	s10 =	smax.u32 s28, $0x1  }
0x10: {  	v15 =	vimm.s32 $0xD;
	v16 =	vimm.s32 $0xE;
	v17 =	vimm.s32 $0xF;
	s11 =	sor.u32 $0x20, s12;
	s12 =	simm.s32 $0x5;
	s9 =	sadd.s32 $0x1800, s9  }
.LBB2_10:
0x11: {  	s23 =	sadd.s32 $0x1, s23  }
0x12: {  	p0 =	sne.s32 s23, s10  }
.Ltmp1:
0x13: {  	_ = 	snop;
	(pc) =	sbr.rel @!p0 .LBB2_11-.Ltmp1, $4  }
0x14: {  	[hbm4b:s9+s13] =	stream.strided.scatter [tilespmem:s19], [sflag:$0x5], $0x400, s22, s13, $0x38;
	[tilespmem:$0xEE00] =	vst v63  }
0x15: {  	_ =	swait.ge [sflag:s12], $0x400  }
0x16: {  	[sflag:s12] =	ssyncset.done $0x0  }
0x17: {  	[sflag:s12] =	ssyncadd.s32 $0xFFFFFC00  }
.LBB2_1:
0x18: {  	[tilespmem:s3], [sflag:$0x5] =	stream.linear.gather [hbm4b:s5+s3], $0x6200, $0x38;
	[tilespmem:$0xEE00] =	vst v63  }
0x19: {  	_ =	swait.ge [sflag:s12], $0x6200  }
0x1a: {  	[sflag:s12] =	ssyncset.done $0x0  }
0x1b: {  	s24 =	simm.s32 $0x40;
	s25 =	simm.s32 $0x0;
	[sflag:s12] =	ssyncadd.s32 $0xFFFF9E00  }
.LBB2_2:
0x1c: {  	p0 =	sne.s32 s24, $0xFC0;
	[tilespmem:s25+$0xEA00] =	vst v0;
	s25 =	smov.u32 s24;
	s24 =	sadd.s32 $0x40, s24  }
.Ltmp2:
0x1d: {  	(pc) =	sbr.rel @p0 .LBB2_2-.Ltmp2, $2  }
0x1e: {  	_ =	sdelay $0x2  }
0x1f: {  	s25 =	sshra.s32 s25, $0x2  }
.Ltmp3:
0x20: {  	(pc) =	sbr.rel .LBB2_4-.Ltmp3, $4  }
0x21: {  	[tilespmem:s25+$0xEA00] =	vst v0  }
0x22: {  	[tilespmem:s15], [sflag:$0x1] =	stream.strided.gather [hbm4b:s6+s13], $0x400, s14, s13, $0x38;
	[tilespmem:$0xEE00] =	vst v63  }
0x23: {  	s24 =	simm.s32 $0x0  }
0x24: {  	[tilespmem:s16], [sflag:$0x3] =	stream.linear.gather [hbm4b:s7+s24], $0x4000, $0x38;
	[tilespmem:$0xEE00] =	vst v63  }
.LBB2_9:
0x25: {  	s24 =	sadd.s32 $0x1, s24  }
0x26: {  	p0 =	sne.s32 s24, $0x31  }
.Ltmp4:
0x27: {  	_ = 	snop;
	(pc) =	sbr.rel @!p0 .LBB2_10-.Ltmp4, $1  }
0x28: {  	_ =	sdelay $0x3  }
.LBB2_4:
0x29: {  	s25 =	sshll.u32 s24, $0x6  }
0x2a: {  	s26 =	sor.u32 s11, s25  }
0x2b: {  	p0 =	sgt.u32 s26, $0xC34  }
0x2c: {  	s28 =	sshll.u32 @!p0 s26, $0x8;
	s29 =	simm.s32 @!p0 $0x80;
	s30 =	simm.s32 @!p0 $0x100  }
0x2d: {  	s31 =	simm.s32 @!p0 $0x6600;
	s26 =	sshll.u32 @!p0 s26, $0xB;
	s28 =	sadd.s32 @!p0 s1, s28  }
0x2e: {  	[tilespmem:s31], [sflag:$0x2] =	stream.strided.gather @!p0 [hbm4b:s28+s29], $0x400, s30, s29, $0x38;
	[tilespmem:$0xEE00] =	vst v63  }
0x2f: {  	s26 =	sadd.s32 @!p0 s4, s26;
	s28 =	simm.s32 @!p0 $0x0;
	s29 =	simm.s32 @!p0 $0xAA00  }
0x30: {  	[tilespmem:s29], [sflag:$0x4] =	stream.linear.gather @!p0 [hbm4b:s26+s28], $0x4000, $0x38;
	[tilespmem:$0xEE00] =	vst v63  }
0x31: {  	_ =	swait.ge [sflag:s17], $0x400  }
0x32: {  	[sflag:s17] =	ssyncset.done $0x0  }
0x33: {  	[sflag:s17] =	ssyncadd.s32 $0xFFFFFC00  }
0x34: {  	_ =	swait.ge [sflag:s18], $0x4000  }
0x35: {  	[sflag:s18] =	ssyncset.done $0x0  }
0x36: {  	s26 =	simm.s32 $0x6A80;
	s28 =	simm.s32 $0x0;
	[sflag:s18] =	ssyncadd.s32 $0xFFFFC000  }
.LBB2_5:
0x37: {  	s29 =	sshra.s32 s28, $0x2  }
0x38: {  	v18 =	vld [tilespmem:s29+$0x6200];
	_ =	sdelay $0x4  }
0x39: {  	v19 =	vshrl.u32 v18, $0x2;
	_ =	sdelay $0x4  }
0x3a: {  	v19 =	vld.idx.msk [tilespmem:v19+s3+$0x0], $0xffff;
	_ =	sdelay $0x2  }
0x3b: {  	v18 =	vshll.u32 v18, $0x3  }
0x3c: {  	v18 =	vand.u32 $0x18, v18  }
0x3d: {  	v18 =	vshrl.u32 v19, v18  }
0x3e: {  	v18 =	vshll.u32 v18, $0x4  }
0x3f: {  	v18 =	vand.u32 $0xFF0, v18  }
0x40: {  	v19 =	vperm.xlane v18, v4;
	_ =	sdelay $0x1  }
0x41: {  	v20 =	vld [tilespmem:s26+$0xFFFFFF80];
	v19 =	vadd.s32 v5, v19;
	_ =	sdelay $0x3  }
0x42: {  	v21 =	vperm.xlane v18, v6  }
0x43: {  	[tilespmem:v19+s19+$0x0] =	vst.idx.add.f32.msk $0xffff, v20  }
0x44: {  	v37 =	vadd.s32 v5, v21;
	v19 =	vld [tilespmem:s26+$0xFFFFFF90];
	_ =	sdelay $0x3  }
0x45: {  	v38 =	vperm.xlane v18, v1  }
0x46: {  	[tilespmem:v37+s19+$0x0] =	vst.idx.add.f32.msk $0xffff, v19  }
0x47: {  	v39 =	vadd.s32 v5, v38;
	v19 =	vld [tilespmem:s26+$0xFFFFFFA0];
	_ =	sdelay $0x3  }
0x48: {  	v40 =	vperm.xlane v18, v2  }
0x49: {  	[tilespmem:v39+s19+$0x0] =	vst.idx.add.f32.msk $0xffff, v19  }
0x4a: {  	v41 =	vadd.s32 v5, v40;
	v19 =	vld [tilespmem:s26+$0xFFFFFFB0];
	_ =	sdelay $0x3  }
0x4b: {  	v42 =	vperm.xlane v18, v3  }
0x4c: {  	[tilespmem:v41+s19+$0x0] =	vst.idx.add.f32.msk $0xffff, v19  }
0x4d: {  	v43 =	vadd.s32 v5, v42;
	v19 =	vld [tilespmem:s26+$0xFFFFFFC0];
	_ =	sdelay $0x3  }
0x4e: {  	v44 =	vperm.xlane v18, v7  }
0x4f: {  	[tilespmem:v43+s19+$0x0] =	vst.idx.add.f32.msk $0xffff, v19  }
0x50: {  	v45 =	vadd.s32 v5, v44;
	v19 =	vld [tilespmem:s26+$0xFFFFFFD0];
	_ =	sdelay $0x3  }
0x51: {  	v46 =	vperm.xlane v18, v8  }
0x52: {  	[tilespmem:v45+s19+$0x0] =	vst.idx.add.f32.msk $0xffff, v19  }
0x53: {  	v47 =	vadd.s32 v5, v46;
	v19 =	vld [tilespmem:s26+$0xFFFFFFE0];
	_ =	sdelay $0x3  }
0x54: {  	v48 =	vperm.xlane v18, v9  }
0x55: {  	[tilespmem:v47+s19+$0x0] =	vst.idx.add.f32.msk $0xffff, v19  }
0x56: {  	v49 =	vadd.s32 v5, v48;
	v19 =	vld [tilespmem:s26+$0xFFFFFFF0];
	_ =	sdelay $0x3  }
0x57: {  	v50 =	vperm.xlane v18, v10  }
0x58: {  	[tilespmem:v49+s19+$0x0] =	vst.idx.add.f32.msk $0xffff, v19  }
0x59: {  	v51 =	vadd.s32 v5, v50;
	v19 =	vld [tilespmem:s26+$0x0];
	_ =	sdelay $0x3  }
0x5a: {  	v52 =	vperm.xlane v18, v11  }
0x5b: {  	[tilespmem:v51+s19+$0x0] =	vst.idx.add.f32.msk $0xffff, v19  }
0x5c: {  	v53 =	vadd.s32 v5, v52;
	v19 =	vld [tilespmem:s26+$0x10];
	_ =	sdelay $0x3  }
0x5d: {  	v54 =	vperm.xlane v18, v12  }
0x5e: {  	[tilespmem:v53+s19+$0x0] =	vst.idx.add.f32.msk $0xffff, v19  }
0x5f: {  	v55 =	vadd.s32 v5, v54;
	v19 =	vld [tilespmem:s26+$0x20];
	_ =	sdelay $0x3  }
0x60: {  	v56 =	vperm.xlane v18, v13  }
0x61: {  	[tilespmem:v55+s19+$0x0] =	vst.idx.add.f32.msk $0xffff, v19  }
0x62: {  	v57 =	vadd.s32 v5, v56;
	v19 =	vld [tilespmem:s26+$0x30];
	_ =	sdelay $0x3  }
0x63: {  	v58 =	vperm.xlane v18, v14  }
0x64: {  	[tilespmem:v57+s19+$0x0] =	vst.idx.add.f32.msk $0xffff, v19  }
0x65: {  	v59 =	vadd.s32 v5, v58;
	v19 =	vld [tilespmem:s26+$0x40];
	_ =	sdelay $0x3  }
0x66: {  	v60 =	vperm.xlane v18, v15  }
0x67: {  	[tilespmem:v59+s19+$0x0] =	vst.idx.add.f32.msk $0xffff, v19  }
0x68: {  	v61 =	vadd.s32 v5, v60;
	v19 =	vld [tilespmem:s26+$0x50];
	_ =	sdelay $0x3  }
0x69: {  	v62 =	vperm.xlane v18, v16  }
0x6a: {  	[tilespmem:v61+s19+$0x0] =	vst.idx.add.f32.msk $0xffff, v19  }
0x6b: {  	v63 =	vadd.s32 v5, v62;
	v19 =	vld [tilespmem:s26+$0x60];
	_ =	sdelay $0x3  }
0x6c: {  	v18 =	vperm.xlane v18, v17  }
0x6d: {  	[tilespmem:v63+s19+$0x0] =	vst.idx.add.f32.msk $0xffff, v19  }
0x6e: {  	p1 =	sne.s32 s28, $0xFC0;
	v18 =	vadd.s32 v5, v18;
	v19 =	vld [tilespmem:s26+$0x70]  }
.Ltmp5:
0x6f: {  	_ = 	snop;
	(pc) =	sbr.rel @p1 .LBB2_5-.Ltmp5, $2  }
0x70: {  	_ =	sdelay $0x2  }
0x71: {  	s28 =	sadd.s32 $0x40, s28;
	s26 =	sadd.s32 $0x100, s26;
	[tilespmem:v18+s19+$0x0] =	vst.idx.add.f32.msk $0xffff, v19  }
0x72: {  	s25 =	sadd.s32 s8, s25  }
0x73: {  	p1 =	sgt.u32 s25, $0xC34  }
0x74: {  	s26 =	sshll.u32 @!p1 s25, $0x8  }
.Ltmp6:
0x75: {  	s28 =	simm.s32 @!p1 $0x80;
	s29 =	simm.s32 @!p1 $0x100;
	(pc) =	sbr.rel @p0 .LBB2_9-.Ltmp6, $4  }
0x76: {  	s30 =	simm.s32 @!p1 $0x6200;
	s25 =	sshll.u32 @!p1 s25, $0xB;
	s26 =	sadd.s32 @!p1 s1, s26  }
0x77: {  	[tilespmem:s30], [sflag:$0x1] =	stream.strided.gather @!p1 [hbm4b:s26+s28], $0x400, s29, s28, $0x38;
	[tilespmem:$0xEE00] =	vst v63  }
0x78: {  	s25 =	sadd.s32 @!p1 s4, s25;
	s26 =	simm.s32 @!p1 $0x0;
	s28 =	simm.s32 @!p1 $0x6A00  }
0x79: {  	[tilespmem:s28], [sflag:$0x3] =	stream.linear.gather @!p1 [hbm4b:s25+s26], $0x4000, $0x38;
	[tilespmem:$0xEE00] =	vst v63  }
0x7a: {  	_ =	swait.ge [sflag:s20], $0x400  }
0x7b: {  	[sflag:s20] =	ssyncset.done $0x0  }
0x7c: {  	[sflag:s20] =	ssyncadd.s32 $0xFFFFFC00  }
0x7d: {  	_ =	swait.ge [sflag:s21], $0x4000  }
0x7e: {  	[sflag:s21] =	ssyncset.done $0x0  }
0x7f: {  	s25 =	simm.s32 $0x0;
	s26 =	simm.s32 $0xAA80;
	[sflag:s21] =	ssyncadd.s32 $0xFFFFC000  }
.LBB2_8:
0x80: {  	s28 =	sshra.s32 s25, $0x2  }
0x81: {  	v18 =	vld [tilespmem:s28+$0x6600];
	_ =	sdelay $0x4  }
0x82: {  	v19 =	vshrl.u32 v18, $0x2;
	_ =	sdelay $0x4  }
0x83: {  	v19 =	vld.idx.msk [tilespmem:v19+s3+$0x0], $0xffff;
	_ =	sdelay $0x2  }
0x84: {  	v18 =	vshll.u32 v18, $0x3  }
0x85: {  	v18 =	vand.u32 $0x18, v18  }
0x86: {  	v18 =	vshrl.u32 v19, v18  }
0x87: {  	v18 =	vshll.u32 v18, $0x4  }
0x88: {  	v18 =	vand.u32 $0xFF0, v18  }
0x89: {  	v19 =	vperm.xlane v18, v4;
	_ =	sdelay $0x1  }
0x8a: {  	v20 =	vld [tilespmem:s26+$0xFFFFFF80];
	v19 =	vadd.s32 v5, v19;
	_ =	sdelay $0x3  }
0x8b: {  	v21 =	vperm.xlane v18, v6  }
0x8c: {  	[tilespmem:v19+s19+$0x0] =	vst.idx.add.f32.msk $0xffff, v20  }
0x8d: {  	v37 =	vadd.s32 v5, v21;
	v19 =	vld [tilespmem:s26+$0xFFFFFF90];
	_ =	sdelay $0x3  }
0x8e: {  	v38 =	vperm.xlane v18, v1  }
0x8f: {  	[tilespmem:v37+s19+$0x0] =	vst.idx.add.f32.msk $0xffff, v19  }
0x90: {  	v39 =	vadd.s32 v5, v38;
	v19 =	vld [tilespmem:s26+$0xFFFFFFA0];
	_ =	sdelay $0x3  }
0x91: {  	v40 =	vperm.xlane v18, v2  }
0x92: {  	[tilespmem:v39+s19+$0x0] =	vst.idx.add.f32.msk $0xffff, v19  }
0x93: {  	v41 =	vadd.s32 v5, v40;
	v19 =	vld [tilespmem:s26+$0xFFFFFFB0];
	_ =	sdelay $0x3  }
0x94: {  	v42 =	vperm.xlane v18, v3  }
0x95: {  	[tilespmem:v41+s19+$0x0] =	vst.idx.add.f32.msk $0xffff, v19  }
0x96: {  	v43 =	vadd.s32 v5, v42;
	v19 =	vld [tilespmem:s26+$0xFFFFFFC0];
	_ =	sdelay $0x3  }
0x97: {  	v44 =	vperm.xlane v18, v7  }
0x98: {  	[tilespmem:v43+s19+$0x0] =	vst.idx.add.f32.msk $0xffff, v19  }
0x99: {  	v45 =	vadd.s32 v5, v44;
	v19 =	vld [tilespmem:s26+$0xFFFFFFD0];
	_ =	sdelay $0x3  }
0x9a: {  	v46 =	vperm.xlane v18, v8  }
0x9b: {  	[tilespmem:v45+s19+$0x0] =	vst.idx.add.f32.msk $0xffff, v19  }
0x9c: {  	v47 =	vadd.s32 v5, v46;
	v19 =	vld [tilespmem:s26+$0xFFFFFFE0];
	_ =	sdelay $0x3  }
0x9d: {  	v48 =	vperm.xlane v18, v9  }
0x9e: {  	[tilespmem:v47+s19+$0x0] =	vst.idx.add.f32.msk $0xffff, v19  }
0x9f: {  	v49 =	vadd.s32 v5, v48;
	v19 =	vld [tilespmem:s26+$0xFFFFFFF0];
	_ =	sdelay $0x3  }
0xa0: {  	v50 =	vperm.xlane v18, v10  }
0xa1: {  	[tilespmem:v49+s19+$0x0] =	vst.idx.add.f32.msk $0xffff, v19  }
0xa2: {  	v51 =	vadd.s32 v5, v50;
	v19 =	vld [tilespmem:s26+$0x0];
	_ =	sdelay $0x3  }
0xa3: {  	v52 =	vperm.xlane v18, v11  }
0xa4: {  	[tilespmem:v51+s19+$0x0] =	vst.idx.add.f32.msk $0xffff, v19  }
0xa5: {  	v53 =	vadd.s32 v5, v52;
	v19 =	vld [tilespmem:s26+$0x10];
	_ =	sdelay $0x3  }
0xa6: {  	v54 =	vperm.xlane v18, v12  }
0xa7: {  	[tilespmem:v53+s19+$0x0] =	vst.idx.add.f32.msk $0xffff, v19  }
0xa8: {  	v55 =	vadd.s32 v5, v54;
	v19 =	vld [tilespmem:s26+$0x20];
	_ =	sdelay $0x3  }
0xa9: {  	v56 =	vperm.xlane v18, v13  }
0xaa: {  	[tilespmem:v55+s19+$0x0] =	vst.idx.add.f32.msk $0xffff, v19  }
0xab: {  	v57 =	vadd.s32 v5, v56;
	v19 =	vld [tilespmem:s26+$0x30];
	_ =	sdelay $0x3  }
0xac: {  	v58 =	vperm.xlane v18, v14  }
0xad: {  	[tilespmem:v57+s19+$0x0] =	vst.idx.add.f32.msk $0xffff, v19  }
0xae: {  	v59 =	vadd.s32 v5, v58;
	v19 =	vld [tilespmem:s26+$0x40];
	_ =	sdelay $0x3  }
0xaf: {  	v60 =	vperm.xlane v18, v15  }
0xb0: {  	[tilespmem:v59+s19+$0x0] =	vst.idx.add.f32.msk $0xffff, v19  }
0xb1: {  	v61 =	vadd.s32 v5, v60;
	v19 =	vld [tilespmem:s26+$0x50];
	_ =	sdelay $0x3  }
0xb2: {  	v62 =	vperm.xlane v18, v16  }
0xb3: {  	[tilespmem:v61+s19+$0x0] =	vst.idx.add.f32.msk $0xffff, v19  }
0xb4: {  	v63 =	vadd.s32 v5, v62;
	v19 =	vld [tilespmem:s26+$0x60];
	_ =	sdelay $0x3  }
0xb5: {  	v18 =	vperm.xlane v18, v17  }
0xb6: {  	[tilespmem:v63+s19+$0x0] =	vst.idx.add.f32.msk $0xffff, v19  }
0xb7: {  	p0 =	sne.s32 s25, $0xFC0;
	v18 =	vadd.s32 v5, v18;
	v19 =	vld [tilespmem:s26+$0x70]  }
.Ltmp7:
0xb8: {  	_ = 	snop;
	(pc) =	sbr.rel @p0 .LBB2_8-.Ltmp7, $2  }
0xb9: {  	_ =	sdelay $0x2  }
0xba: {  	s25 =	sadd.s32 $0x40, s25;
	s26 =	sadd.s32 $0x100, s26;
	[tilespmem:v18+s19+$0x0] =	vst.idx.add.f32.msk $0xffff, v19  }
.Ltmp8:
0xbb: {  	_ = 	snop;
	(pc) =	sbr.rel .LBB2_9-.Ltmp8, $1  }
0xbc: {  	_ =	sdelay $0x3  }
.LBB2_11:
0xbd: {  	_ =	sfence.sel $0x180000  }
0xbe: {  	[bflag:$0x0] =	sbarrier.arrive $0xFFFF  }
0xbf: {  	p0 =	sne.s32 s2, $0x0;
	_ =	strace $0x90000047  }
0xc0: {  	s0 =	sadd.s32 @!p0 $0x100000, s0;
	[bflag:$0x2] =	sbarrier.arrive $0xFFFF  }
0xc1: {  	[sflag:s0] =	ssyncadd.tile.s32 @!p0 $0x1;
	_ =	shalt  }
.Lfunc_end2:
_tile_overlayer_lowered:
.L_overlay_start_2:
0xc2: {  	(tag) =	ssettag $0x2  }
0xc3: {  	s0 =	rddreg [dreg:$0x0];
	s2 =	stileid.u32  }
0xc4: {  	s1 =	rddreg [dreg:$0x1];
	p0 =	sne.s32 s2, $0x0  }
0xc5: {  	s3 =	rddreg [dreg:$0x2];
	[bflag:$0x3] =	sbarrier.arrive $0xFFFF;
	s2 =	simm.s32 @!p0 $0x1C05  }
0xc6: {  	[timem:s3], [sflag:s2] =	dma.local @!p0 [hbm:s0], s1  }
0xc7: {  	s0 =	simm.s32 @!p0 $0x5  }
0xc8: {  	_ =	swait.ge @!p0 [sflag:s0], s1  }
0xc9: {  	s1 =	ssub.s32 @!p0 $0x0, s1;
	[sflag:s0] =	ssyncset.done @!p0 $0x0  }
0xca: {  	[sflag:s0] =	ssyncadd.s32 @!p0 s1  }
0xcb: {  	[bflag:$0x3] =	sbarrier.arrive $0xFFFF  }
0xcc: {  	_ =	shalt  }

</sc_bundles>
